<compile_context>
chip_gen: v7x
topology: tpu7x:2x2x1
jax: 0.10.2.dev20260603
libtpu: 0.0.44.dev20260713+nightly
codegen_flags: <defaults>
</compile_context>

<pallas_src>
import functools

import jax
import jax.numpy as jnp
from jax import lax
from jax.experimental import pallas as pl
from jax.experimental.pallas import tpu as pltpu
from jax.experimental.pallas import tpu_sc as plsc

N = 10000
D = 128
DH = D // 2
NE = 320000
NPAD = 10240
CHK = 128
NCHNK = 160
EPT = NCHNK * CHK
NE_PAD = EPT * 16
NROW2 = NE_PAD // CHK
G = 16
DCHK = 128
DEG_ROWS = NE_PAD // DCHK // 32
ROWS_PER_TILE = NPAD // 16

_MESH = plsc.VectorSubcoreMesh(core_axis_name="c", subcore_axis_name="s")


@functools.partial(
    pl.kernel,
    out_type=jax.ShapeDtypeStruct((2, NPAD), jnp.float32),
    mesh=_MESH,
    scratch_types=[
        pltpu.VMEM((DEG_ROWS, DCHK), jnp.int32),
        pltpu.VMEM((DCHK,), jnp.float32),
        pltpu.VMEM((NPAD // 16,), jnp.float32),
        pltpu.VMEM_SHARED((NPAD,), jnp.float32),
    ],
)
def _deg_kernel(dstd_hbm, out_hbm, di_v, ones_v, z_v, acc):
    c = lax.axis_index("c")
    s = lax.axis_index("s")
    for i in range(DCHK // 16):
        ones_v[pl.ds(i * 16, 16)] = jnp.full((16,), 1.0, jnp.float32)
    for i in range((NPAD // 16) // 16):
        z_v[pl.ds(i * 16, 16)] = jnp.zeros((16,), jnp.float32)
    strip = NPAD // 16
    pltpu.sync_copy(z_v, acc.at[pl.ds(s * strip, strip)])
    w = c * 16 + s
    pltpu.sync_copy(dstd_hbm.at[pl.ds(w * DEG_ROWS, DEG_ROWS)], di_v)
    plsc.subcore_barrier()

    def body(i, _):
        pltpu.sync_copy(ones_v, acc.at[di_v.at[i]], add=True)
        return ()

    lax.fori_loop(0, DEG_ROWS, body, ())
    plsc.subcore_barrier()
    pltpu.sync_copy(acc.at[pl.ds(s * strip, strip)],
                    out_hbm.at[c, pl.ds(s * strip, strip)])


@functools.partial(
    pl.kernel,
    out_type=jax.ShapeDtypeStruct((2 * NPAD, D), jnp.float32),
    mesh=_MESH,
    scratch_types=[
        pltpu.VMEM((G, CHK), jnp.int32),
        pltpu.VMEM((G, CHK), jnp.int32),
        pltpu.VMEM((CHK, D), jnp.float32),
        pltpu.VMEM((CHK, D), jnp.float32),
        pltpu.VMEM_SHARED((NPAD, D), jnp.float32),
        pltpu.SemaphoreType.DMA,
        pltpu.SemaphoreType.DMA,
        pltpu.SemaphoreType.DMA,
        pltpu.SemaphoreType.DMA,
    ],
)
def _prop_kernel(hs_hbm, src2p_hbm, dst2_hbm, zrows_hbm, out_hbm,
                 si_v, di_v, rows_a, rows_b, acc, sem_a, sem_b,
                 sem_sa, sem_sb):
    c = lax.axis_index("c")
    s = lax.axis_index("s")
    row0 = s * ROWS_PER_TILE

    def group(g, _):
        pltpu.sync_copy(
            src2p_hbm.at[pl.ds(c * NROW2 + s * NCHNK + g * G, G)], si_v)
        pltpu.sync_copy(dst2_hbm.at[pl.ds(s * NCHNK + g * G, G)], di_v)

        def pair(i, _):
            j0 = 2 * i
            j1 = 2 * i + 1
            ha = pltpu.async_copy(hs_hbm.at[si_v.at[j0]], rows_a, sem_a)
            hb = pltpu.async_copy(hs_hbm.at[si_v.at[j1]], rows_b, sem_b)
            ha.wait()
            sa = pltpu.async_copy(rows_a, acc.at[di_v.at[j0]], sem_sa,
                                  add=True)
            hb.wait()
            sb = pltpu.async_copy(rows_b, acc.at[di_v.at[j1]], sem_sb,
                                  add=True)
            sa.wait()
            sb.wait()
            return ()

        lax.fori_loop(0, G // 2, pair, ())
        return ()

    for q in range(ROWS_PER_TILE // CHK):
        pltpu.sync_copy(zrows_hbm, acc.at[pl.ds(row0 + q * CHK, CHK)])
    plsc.subcore_barrier()
    lax.fori_loop(0, NCHNK // G, group, ())
    plsc.subcore_barrier()
    pltpu.sync_copy(acc.at[pl.ds(row0, ROWS_PER_TILE)],
                    out_hbm.at[pl.ds(c * NPAD + row0, ROWS_PER_TILE)])


_RB = 2000


def _mm_body(x_ref, w_ref, b_ref, degt_ref, hhp_ref, hs_ref, hi_ref):
    xb = x_ref[...]
    acc = jnp.dot(xb, w_ref[...], preferred_element_type=jnp.float32)
    acc = acc + b_ref[0:1, :]
    degb = degt_ref[...]
    deg = degb[:, 0:1] + degb[:, 1:2]
    dinv = jnp.where(deg > 0, lax.rsqrt(deg), 0.0)
    h_hp = acc[:, 0:D]
    h_lp = acc[:, D:2 * D]
    h_i = acc[:, 2 * D:3 * D]
    hhp_ref[...] = h_hp
    hs_ref[0] = dinv * h_hp
    hs_ref[1] = dinv * h_lp
    hi_ref[...] = jnp.maximum(h_i, 0.0)


def _mm_call(x, w_cat, b_cat, deg_t):
    return pl.pallas_call(
        _mm_body,
        grid=(N // _RB,),
        in_specs=[
            pl.BlockSpec((_RB, D), lambda i: (i, 0)),
            pl.BlockSpec((D, 3 * D), lambda i: (0, 0)),
            pl.BlockSpec((8, 3 * D), lambda i: (0, 0)),
            pl.BlockSpec((_RB, 2), lambda i: (i, 0)),
        ],
        out_specs=[
            pl.BlockSpec((_RB, D), lambda i: (i, 0)),
            pl.BlockSpec((2, _RB, D), lambda i: (0, i, 0)),
            pl.BlockSpec((_RB, D), lambda i: (i, 0)),
        ],
        out_shape=[
            jax.ShapeDtypeStruct((N, D), jnp.float32),
            jax.ShapeDtypeStruct((2, NPAD, D), jnp.float32),
            jax.ShapeDtypeStruct((N, D), jnp.float32),
        ],
    )(x, w_cat, b_cat, deg_t)


def _fin_body(hhp_ref, prop_ref, hi_ref, degt_ref, gw_ref,
              hhp0_ref, prop0_ref, hi0_ref, deg0_ref, out_ref):
    d0 = deg0_ref[0, 0] + deg0_ref[0, 1]
    dinv0 = jnp.where(d0 > 0, lax.rsqrt(d0), 0.0)
    php0 = prop0_ref[0, 0:1, :]
    plp0 = prop0_ref[1, 0:1, :]
    hhp0 = jnp.maximum(hhp0_ref[0:1, :] - dinv0 * php0, 0.0)
    hlp0 = jnp.maximum(dinv0 * plp0, 0.0)
    hi0 = hi0_ref[0:1, :]
    ga = jnp.sum(hhp0 * gw_ref[0:1, :]) + gw_ref[3, 0]
    gb = jnp.sum(hlp0 * gw_ref[1:2, :]) + gw_ref[3, 1]
    gc = jnp.sum(hi0 * gw_ref[2:3, :]) + gw_ref[3, 2]

    degb = degt_ref[...]
    deg = degb[:, 0:1] + degb[:, 1:2]
    dinv = jnp.where(deg > 0, lax.rsqrt(deg), 0.0)
    php = prop_ref[0]
    plp = prop_ref[1]
    h_hp = jnp.maximum(hhp_ref[...] - dinv * php, 0.0)
    h_lp = jnp.maximum(dinv * plp, 0.0)
    z = ga * h_hp + gb * h_lp + gc * hi_ref[...]
    m = jnp.max(z, axis=1, keepdims=True)
    zs = z - m
    out_ref[...] = zs - jnp.log(jnp.sum(jnp.exp(zs), axis=1, keepdims=True))


def _fin_call(h_hp, prop, h_i, deg_t, gw):
    return pl.pallas_call(
        _fin_body,
        grid=(N // _RB,),
        in_specs=[
            pl.BlockSpec((_RB, D), lambda i: (i, 0)),
            pl.BlockSpec((2, _RB, D), lambda i: (0, i, 0)),
            pl.BlockSpec((_RB, D), lambda i: (i, 0)),
            pl.BlockSpec((_RB, 2), lambda i: (i, 0)),
            pl.BlockSpec((8, D), lambda i: (0, 0)),
            pl.BlockSpec((8, D), lambda i: (0, 0)),
            pl.BlockSpec((2, 8, D), lambda i: (0, 0, 0)),
            pl.BlockSpec((8, D), lambda i: (0, 0)),
            pl.BlockSpec((8, 2), lambda i: (0, 0)),
        ],
        out_specs=pl.BlockSpec((_RB, D), lambda i: (i, 0)),
        out_shape=jax.ShapeDtypeStruct((N, D), jnp.float32),
    )(h_hp, prop, h_i, deg_t, gw, h_hp, prop, h_i, deg_t)


def kernel(x, edge_index, W_hp, b_hp, W_lp, b_lp, W_i, b_i,
           w_h, bh, w_l, bl, w_i, bi):
    src = edge_index[0]
    dst = edge_index[1]

    pad = NE_PAD - NE
    src_pad = jnp.concatenate([src, jnp.zeros((pad,), jnp.int32)])
    dst_pad = jnp.concatenate([dst, jnp.full((pad,), N, jnp.int32)])
    src2 = src_pad.reshape(NROW2, CHK)
    dst2 = dst_pad.reshape(NROW2, CHK)

    deg2 = _deg_kernel(dst2)
    deg_t = jnp.transpose(deg2)[:N]

    w_cat = jnp.concatenate([W_hp, W_lp, W_i], axis=1)
    b_cat = jnp.zeros((8, 3 * D), jnp.float32).at[0].set(
        jnp.concatenate([b_hp, b_lp, b_i]))

    h_hp, hs, h_i = _mm_call(x, w_cat, b_cat, deg_t)

    zrows = jnp.zeros((CHK, D), jnp.float32)

    hs_flat = hs.reshape(2 * NPAD, D)
    src2p = (src2[None, :, :]
             + (jnp.arange(2, dtype=jnp.int32) * NPAD)[:, None, None]
             ).reshape(2 * NROW2, CHK)

    prop = _prop_kernel(hs_flat, src2p, dst2, zrows).reshape(2, NPAD, D)

    gw = (jnp.zeros((8, D), jnp.float32)
          .at[0].set(w_h[:, 0]).at[1].set(w_l[:, 0]).at[2].set(w_i[:, 0])
          .at[3, 0].set(bh[0]).at[3, 1].set(bl[0]).at[3, 2].set(bi[0]))

    return _fin_call(h_hp, prop, h_i, deg_t, gw)

# --- scband reference (transcript-rebuilt; emitter-appended) ---
"""Pipeline reference for scband-acm-gcn-single-34041910788577 (READ-ONLY COPY).

The authoritative reference and input builder live on the scoring server;
editing this copy changes nothing except your own understanding.
"""

import jax, jax.numpy as jnp
import numpy as np

N_NODES = 10000
IN_DIM = 128
OUT_DIM = 128
N_EDGES = 320000


def setup_inputs(seed: int = 0) -> dict:
    key = jax.random.key(seed)
    ks = jax.random.split(key, 16)
    x = jax.random.normal(ks[0], (N_NODES, IN_DIM), dtype=jnp.float32)
    edge_index = jax.random.randint(ks[1], (2, N_EDGES), 0, N_NODES, dtype=jnp.int64 if jax.config.jax_enable_x64 else jnp.int32).astype(jnp.int32)
    s = 1.0 / np.sqrt(IN_DIM)
    W_hp = jax.random.uniform(ks[2], (IN_DIM, OUT_DIM), minval=-s, maxval=s, dtype=jnp.float32)
    b_hp = jax.random.uniform(ks[3], (OUT_DIM,), minval=-s, maxval=s, dtype=jnp.float32)
    W_lp = jax.random.uniform(ks[4], (IN_DIM, OUT_DIM), minval=-s, maxval=s, dtype=jnp.float32)
    b_lp = jax.random.uniform(ks[5], (OUT_DIM,), minval=-s, maxval=s, dtype=jnp.float32)
    W_i = jax.random.uniform(ks[6], (IN_DIM, OUT_DIM), minval=-s, maxval=s, dtype=jnp.float32)
    b_i = jax.random.uniform(ks[7], (OUT_DIM,), minval=-s, maxval=s, dtype=jnp.float32)
    so = 1.0 / np.sqrt(OUT_DIM)
    w_h = jax.random.uniform(ks[8], (OUT_DIM, 1), minval=-so, maxval=so, dtype=jnp.float32)
    bh = jax.random.uniform(ks[9], (1,), minval=-so, maxval=so, dtype=jnp.float32)
    w_l = jax.random.uniform(ks[10], (OUT_DIM, 1), minval=-so, maxval=so, dtype=jnp.float32)
    bl = jax.random.uniform(ks[11], (1,), minval=-so, maxval=so, dtype=jnp.float32)
    w_i = jax.random.uniform(ks[12], (OUT_DIM, 1), minval=-so, maxval=so, dtype=jnp.float32)
    bi = jax.random.uniform(ks[13], (1,), minval=-so, maxval=so, dtype=jnp.float32)
    return {"x": x, "edge_index": edge_index,
            "W_hp": W_hp, "b_hp": b_hp, "W_lp": W_lp, "b_lp": b_lp,
            "W_i": W_i, "b_i": b_i,
            "w_h": w_h, "bh": bh, "w_l": w_l, "bl": bl, "w_i": w_i, "bi": bi}


def _gcn_norm(edge_index, n_nodes):
    src, dst = edge_index[0], edge_index[1]
    ones = jnp.ones(edge_index.shape[1], dtype=jnp.float32)
    deg = jnp.zeros((n_nodes,), dtype=jnp.float32).at[dst].add(ones)
    deg_inv_sqrt = jnp.where(deg > 0, deg ** -0.5, 0.0)
    norm = deg_inv_sqrt[src] * deg_inv_sqrt[dst]
    return src, dst, norm


def _propagate(h, src, dst, norm, n_nodes):
    msgs = h[src] * norm[:, None]
    return jnp.zeros((n_nodes, h.shape[1]), dtype=h.dtype).at[dst].add(msgs)


def reference(x, edge_index, W_hp, b_hp, W_lp, b_lp, W_i, b_i, w_h, bh, w_l, bl, w_i, bi):
    n = x.shape[0]
    src, dst, norm = _gcn_norm(edge_index, n)
    # HP filterbank: (I - A_norm) x W
    h_hp = x @ W_hp + b_hp
    H_hp = jax.nn.relu(h_hp - _propagate(h_hp, src, dst, norm, n))
    # LP filterbank: A_norm x W
    h_lp = x @ W_lp + b_lp
    H_lp = jax.nn.relu(_propagate(h_lp, src, dst, norm, n))
    # Identity filterbank: x W
    H_i = jax.nn.relu(x @ W_i + b_i)
    sigma_h = H_hp @ w_h + bh  # [N, 1]
    sigma_l = H_lp @ w_l + bl
    sigma_i = H_i @ w_i + bi
    # torch.diag on an [N,1] matrix extracts the main diagonal -> shape [1]
    out = jnp.diag(sigma_h) * H_hp + jnp.diag(sigma_l) * H_lp + jnp.diag(sigma_i) * H_i
    return jax.nn.log_softmax(out, axis=1)

if __name__ == "__main__":
    import jax
    _d = setup_inputs()
    print(jax.jit(kernel)(*tuple(_d.values())))

</pallas_src>

<mosaic_0001>
#map = affine_map<(d0, d1) -> (0, 0)>
module attributes {stable_mosaic.version = 14 : i64} {
  func.func @_prop_kernel(%arg0: i32, %arg1: i32, %arg2: memref<20480x128xf32, #tpu.memory_space<hbm>>, %arg3: memref<5120x128xi32, #tpu.memory_space<hbm>>, %arg4: memref<2560x128xi32, #tpu.memory_space<hbm>>, %arg5: memref<128x128xf32, #tpu.memory_space<hbm>>, %arg6: memref<20480x128xf32, #tpu.memory_space<hbm>>, %arg7: memref<16x128xi32, #tpu.memory_space<vmem>>, %arg8: memref<16x128xi32, #tpu.memory_space<vmem>>, %arg9: memref<128x128xf32, #tpu.memory_space<vmem>>, %arg10: memref<128x128xf32, #tpu.memory_space<vmem>>, %arg11: memref<10240x128xf32, #tpu.memory_space<vmem_shared>>, %arg12: memref<!tpu.dma_semaphore, #tpu.memory_space<semaphore_mem>>, %arg13: memref<!tpu.dma_semaphore, #tpu.memory_space<semaphore_mem>>, %arg14: memref<!tpu.dma_semaphore, #tpu.memory_space<semaphore_mem>>, %arg15: memref<!tpu.dma_semaphore, #tpu.memory_space<semaphore_mem>>) attributes {dimension_semantics = [#tpu.dimension_semantics<core_parallel>, #tpu.dimension_semantics<subcore_parallel>], iteration_bounds = array<i64: 2, 16>, scalar_prefetch = 0 : i64, scratch_operands = 9 : i64, tpu.core_type = #tpu.core_type<sc_vector_subcore>, window_params = [{transform_indices = #map}, {transform_indices = #map}, {transform_indices = #map}, {transform_indices = #map}, {transform_indices = #map}]} {
    %mul3A = arith.constant 640 : i32
    %mul3A_0 = arith.muli %arg1, %mul3A : i32
    %add3A = arith.constant 0 : i32
    %add3A_1 = arith.addi %mul3A_0, %add3A : i32
    "tpu.region"() ({
      %run_scoped3A = tpu.sem_alloc : memref<!tpu.dma_semaphore, #tpu.memory_space<semaphore_mem>>
      %dma_start3A = arith.constant 0 : i32
      %dma_start3A_18 = tpu.memref_slice %arg11[%add3A_1, %dma_start3A] : memref<10240x128xf32, #tpu.memory_space<vmem_shared>> -> memref<128x128xf32, #tpu.memory_space<vmem_shared>>
      tpu.enqueue_dma source(%arg5 : memref<128x128xf32, #tpu.memory_space<hbm>>) target(%dma_start3A_18 : memref<128x128xf32, #tpu.memory_space<vmem_shared>>) target_semaphore(%run_scoped3A : memref<!tpu.dma_semaphore, #tpu.memory_space<semaphore_mem>>)
      %dma_wait3A = arith.constant 0 : i32
      %dma_wait3A_19 = tpu.memref_slice %arg11[%add3A_1, %dma_wait3A] : memref<10240x128xf32, #tpu.memory_space<vmem_shared>> -> memref<128x128xf32, #tpu.memory_space<vmem_shared>>
      tpu.wait_dma2 semaphore(%run_scoped3A : memref<!tpu.dma_semaphore, #tpu.memory_space<semaphore_mem>>) src(%arg5 : memref<128x128xf32, #tpu.memory_space<hbm>>) dst(%dma_wait3A_19 : memref<128x128xf32, #tpu.memory_space<vmem_shared>>)
      tpu.yield
    }) : () -> ()
    %add3A_2 = arith.constant 128 : i32
    %add3A_3 = arith.addi %mul3A_0, %add3A_2 : i32
    "tpu.region"() ({
      %run_scoped3A = tpu.sem_alloc : memref<!tpu.dma_semaphore, #tpu.memory_space<semaphore_mem>>
      %dma_start3A = arith.constant 0 : i32
      %dma_start3A_18 = tpu.memref_slice %arg11[%add3A_3, %dma_start3A] : memref<10240x128xf32, #tpu.memory_space<vmem_shared>> -> memref<128x128xf32, #tpu.memory_space<vmem_shared>>
      tpu.enqueue_dma source(%arg5 : memref<128x128xf32, #tpu.memory_space<hbm>>) target(%dma_start3A_18 : memref<128x128xf32, #tpu.memory_space<vmem_shared>>) target_semaphore(%run_scoped3A : memref<!tpu.dma_semaphore, #tpu.memory_space<semaphore_mem>>)
      %dma_wait3A = arith.constant 0 : i32
      %dma_wait3A_19 = tpu.memref_slice %arg11[%add3A_3, %dma_wait3A] : memref<10240x128xf32, #tpu.memory_space<vmem_shared>> -> memref<128x128xf32, #tpu.memory_space<vmem_shared>>
      tpu.wait_dma2 semaphore(%run_scoped3A : memref<!tpu.dma_semaphore, #tpu.memory_space<semaphore_mem>>) src(%arg5 : memref<128x128xf32, #tpu.memory_space<hbm>>) dst(%dma_wait3A_19 : memref<128x128xf32, #tpu.memory_space<vmem_shared>>)
      tpu.yield
    }) : () -> ()
    %add3A_4 = arith.constant 256 : i32
    %add3A_5 = arith.addi %mul3A_0, %add3A_4 : i32
    "tpu.region"() ({
      %run_scoped3A = tpu.sem_alloc : memref<!tpu.dma_semaphore, #tpu.memory_space<semaphore_mem>>
      %dma_start3A = arith.constant 0 : i32
      %dma_start3A_18 = tpu.memref_slice %arg11[%add3A_5, %dma_start3A] : memref<10240x128xf32, #tpu.memory_space<vmem_shared>> -> memref<128x128xf32, #tpu.memory_space<vmem_shared>>
      tpu.enqueue_dma source(%arg5 : memref<128x128xf32, #tpu.memory_space<hbm>>) target(%dma_start3A_18 : memref<128x128xf32, #tpu.memory_space<vmem_shared>>) target_semaphore(%run_scoped3A : memref<!tpu.dma_semaphore, #tpu.memory_space<semaphore_mem>>)
      %dma_wait3A = arith.constant 0 : i32
      %dma_wait3A_19 = tpu.memref_slice %arg11[%add3A_5, %dma_wait3A] : memref<10240x128xf32, #tpu.memory_space<vmem_shared>> -> memref<128x128xf32, #tpu.memory_space<vmem_shared>>
      tpu.wait_dma2 semaphore(%run_scoped3A : memref<!tpu.dma_semaphore, #tpu.memory_space<semaphore_mem>>) src(%arg5 : memref<128x128xf32, #tpu.memory_space<hbm>>) dst(%dma_wait3A_19 : memref<128x128xf32, #tpu.memory_space<vmem_shared>>)
      tpu.yield
    }) : () -> ()
    %add3A_6 = arith.constant 384 : i32
    %add3A_7 = arith.addi %mul3A_0, %add3A_6 : i32
    "tpu.region"() ({
      %run_scoped3A = tpu.sem_alloc : memref<!tpu.dma_semaphore, #tpu.memory_space<semaphore_mem>>
      %dma_start3A = arith.constant 0 : i32
      %dma_start3A_18 = tpu.memref_slice %arg11[%add3A_7, %dma_start3A] : memref<10240x128xf32, #tpu.memory_space<vmem_shared>> -> memref<128x128xf32, #tpu.memory_space<vmem_shared>>
      tpu.enqueue_dma source(%arg5 : memref<128x128xf32, #tpu.memory_space<hbm>>) target(%dma_start3A_18 : memref<128x128xf32, #tpu.memory_space<vmem_shared>>) target_semaphore(%run_scoped3A : memref<!tpu.dma_semaphore, #tpu.memory_space<semaphore_mem>>)
      %dma_wait3A = arith.constant 0 : i32
      %dma_wait3A_19 = tpu.memref_slice %arg11[%add3A_7, %dma_wait3A] : memref<10240x128xf32, #tpu.memory_space<vmem_shared>> -> memref<128x128xf32, #tpu.memory_space<vmem_shared>>
      tpu.wait_dma2 semaphore(%run_scoped3A : memref<!tpu.dma_semaphore, #tpu.memory_space<semaphore_mem>>) src(%arg5 : memref<128x128xf32, #tpu.memory_space<hbm>>) dst(%dma_wait3A_19 : memref<128x128xf32, #tpu.memory_space<vmem_shared>>)
      tpu.yield
    }) : () -> ()
    %add3A_8 = arith.constant 512 : i32
    %add3A_9 = arith.addi %mul3A_0, %add3A_8 : i32
    "tpu.region"() ({
      %run_scoped3A = tpu.sem_alloc : memref<!tpu.dma_semaphore, #tpu.memory_space<semaphore_mem>>
      %dma_start3A = arith.constant 0 : i32
      %dma_start3A_18 = tpu.memref_slice %arg11[%add3A_9, %dma_start3A] : memref<10240x128xf32, #tpu.memory_space<vmem_shared>> -> memref<128x128xf32, #tpu.memory_space<vmem_shared>>
      tpu.enqueue_dma source(%arg5 : memref<128x128xf32, #tpu.memory_space<hbm>>) target(%dma_start3A_18 : memref<128x128xf32, #tpu.memory_space<vmem_shared>>) target_semaphore(%run_scoped3A : memref<!tpu.dma_semaphore, #tpu.memory_space<semaphore_mem>>)
      %dma_wait3A = arith.constant 0 : i32
      %dma_wait3A_19 = tpu.memref_slice %arg11[%add3A_9, %dma_wait3A] : memref<10240x128xf32, #tpu.memory_space<vmem_shared>> -> memref<128x128xf32, #tpu.memory_space<vmem_shared>>
      tpu.wait_dma2 semaphore(%run_scoped3A : memref<!tpu.dma_semaphore, #tpu.memory_space<semaphore_mem>>) src(%arg5 : memref<128x128xf32, #tpu.memory_space<hbm>>) dst(%dma_wait3A_19 : memref<128x128xf32, #tpu.memory_space<vmem_shared>>)
      tpu.yield
    }) : () -> ()
    %barrier3A = arith.constant 0 : index
    tpu.barrier barrier_id(%barrier3A)
    %scan3A = arith.constant 0 : i32
    %scan3A_10 = arith.constant 10 : i32
    %scan3A_11 = arith.addi %scan3A, %scan3A_10 : i32
    %scan3A_12 = arith.constant 1 : i32
    scf.for %scan3A_18 = %scan3A to %scan3A_11 step %scan3A_12  : i32 {
      %mul3A_19 = arith.constant 2560 : i32
      %mul3A_20 = arith.muli %arg0, %mul3A_19 : i32
      %mul3A_21 = arith.constant 160 : i32
      %mul3A_22 = arith.muli %arg1, %mul3A_21 : i32
      %add3A_23 = arith.addi %mul3A_20, %mul3A_22 : i32
      %mul3A_24 = arith.constant 16 : i32
      %mul3A_25 = arith.muli %scan3A_18, %mul3A_24 : i32
      %add3A_26 = arith.addi %add3A_23, %mul3A_25 : i32
      "tpu.region"() ({
        %run_scoped3A = tpu.sem_alloc : memref<!tpu.dma_semaphore, #tpu.memory_space<semaphore_mem>>
        %dma_start3A = arith.constant 0 : i32
        %dma_start3A_37 = tpu.memref_slice %arg3[%add3A_26, %dma_start3A] : memref<5120x128xi32, #tpu.memory_space<hbm>> -> memref<16x128xi32, #tpu.memory_space<hbm>>
        %dma_start3A_38 = arith.constant 0 : i32
        %dma_start3A_39 = tpu.memref_slice %arg3[%add3A_26, %dma_start3A_38] : memref<5120x128xi32, #tpu.memory_space<hbm>> -> memref<16x128xi32, #tpu.memory_space<hbm>>
        tpu.enqueue_dma source(%dma_start3A_39 : memref<16x128xi32, #tpu.memory_space<hbm>>) target(%arg7 : memref<16x128xi32, #tpu.memory_space<vmem>>) target_semaphore(%run_scoped3A : memref<!tpu.dma_semaphore, #tpu.memory_space<semaphore_mem>>)
        %dma_wait3A = arith.constant 0 : i32
        %dma_wait3A_40 = tpu.memref_slice %arg3[%add3A_26, %dma_wait3A] : memref<5120x128xi32, #tpu.memory_space<hbm>> -> memref<16x128xi32, #tpu.memory_space<hbm>>
        %dma_wait3A_41 = arith.constant 0 : i32
        %dma_wait3A_42 = tpu.memref_slice %arg3[%add3A_26, %dma_wait3A_41] : memref<5120x128xi32, #tpu.memory_space<hbm>> -> memref<16x128xi32, #tpu.memory_space<hbm>>
        tpu.wait_dma2 semaphore(%run_scoped3A : memref<!tpu.dma_semaphore, #tpu.memory_space<semaphore_mem>>) src(%dma_wait3A_42 : memref<16x128xi32, #tpu.memory_space<hbm>>) dst(%arg7 : memref<16x128xi32, #tpu.memory_space<vmem>>)
        tpu.yield
      }) : () -> ()
      %mul3A_27 = arith.constant 160 : i32
      %mul3A_28 = arith.muli %arg1, %mul3A_27 : i32
      %mul3A_29 = arith.constant 16 : i32
      %mul3A_30 = arith.muli %scan3A_18, %mul3A_29 : i32
      %add3A_31 = arith.addi %mul3A_28, %mul3A_30 : i32
      "tpu.region"() ({
        %run_scoped3A = tpu.sem_alloc : memref<!tpu.dma_semaphore, #tpu.memory_space<semaphore_mem>>
        %dma_start3A = arith.constant 0 : i32
        %dma_start3A_37 = tpu.memref_slice %arg4[%add3A_31, %dma_start3A] : memref<2560x128xi32, #tpu.memory_space<hbm>> -> memref<16x128xi32, #tpu.memory_space<hbm>>
        %dma_start3A_38 = arith.constant 0 : i32
        %dma_start3A_39 = tpu.memref_slice %arg4[%add3A_31, %dma_start3A_38] : memref<2560x128xi32, #tpu.memory_space<hbm>> -> memref<16x128xi32, #tpu.memory_space<hbm>>
        tpu.enqueue_dma source(%dma_start3A_39 : memref<16x128xi32, #tpu.memory_space<hbm>>) target(%arg8 : memref<16x128xi32, #tpu.memory_space<vmem>>) target_semaphore(%run_scoped3A : memref<!tpu.dma_semaphore, #tpu.memory_space<semaphore_mem>>)
        %dma_wait3A = arith.constant 0 : i32
        %dma_wait3A_40 = tpu.memref_slice %arg4[%add3A_31, %dma_wait3A] : memref<2560x128xi32, #tpu.memory_space<hbm>> -> memref<16x128xi32, #tpu.memory_space<hbm>>
        %dma_wait3A_41 = arith.constant 0 : i32
        %dma_wait3A_42 = tpu.memref_slice %arg4[%add3A_31, %dma_wait3A_41] : memref<2560x128xi32, #tpu.memory_space<hbm>> -> memref<16x128xi32, #tpu.memory_space<hbm>>
        tpu.wait_dma2 semaphore(%run_scoped3A : memref<!tpu.dma_semaphore, #tpu.memory_space<semaphore_mem>>) src(%dma_wait3A_42 : memref<16x128xi32, #tpu.memory_space<hbm>>) dst(%arg8 : memref<16x128xi32, #tpu.memory_space<vmem>>)
        tpu.yield
      }) : () -> ()
      %scan3A_32 = arith.constant 0 : i32
      %scan3A_33 = arith.constant 8 : i32
      %scan3A_34 = arith.addi %scan3A_32, %scan3A_33 : i32
      %scan3A_35 = arith.constant 1 : i32
      scf.for %scan3A_37 = %scan3A_32 to %scan3A_34 step %scan3A_35  : i32 {
        %mul3A_38 = arith.constant 2 : i32
        %mul3A_39 = arith.muli %mul3A_38, %scan3A_37 : i32
        %mul3A_40 = arith.constant 2 : i32
        %mul3A_41 = arith.muli %mul3A_40, %scan3A_37 : i32
        %add3A_42 = arith.constant 1 : i32
        %add3A_43 = arith.addi %mul3A_41, %add3A_42 : i32
        %dma_start3A = arith.constant 0 : i32
        %dma_start3A_44 = tpu.memref_slice %arg7[%mul3A_39, %dma_start3A] : memref<16x128xi32, #tpu.memory_space<vmem>> -> memref<1x128xi32, #tpu.memory_space<vmem>>
        %dma_start3A_45 = tpu.memref_squeeze %dma_start3A_44 : memref<1x128xi32, #tpu.memory_space<vmem>> -> memref<128xi32, #tpu.memory_space<vmem>>
        %dma_start3A_46 = arith.constant 0 : i32
        %dma_start3A_47 = arith.constant 0 : i32
        %dma_start3A_48 = tpu.memref_slice %arg2[%dma_start3A_46, %dma_start3A_47] : memref<20480x128xf32, #tpu.memory_space<hbm>> -> memref<20480x128xf32, #tpu.memory_space<hbm>>
        tpu.enqueue_indirect_dma source(%dma_start3A_48 : memref<20480x128xf32, #tpu.memory_space<hbm>>) target(%arg9 : memref<128x128xf32, #tpu.memory_space<vmem>>) offsets(%dma_start3A_45 : memref<128xi32, #tpu.memory_space<vmem>>) semaphore(%arg12 : memref<!tpu.dma_semaphore, #tpu.memory_space<semaphore_mem>>)
        %dma_start3A_49 = arith.constant 0 : i32
        %dma_start3A_50 = tpu.memref_slice %arg7[%add3A_43, %dma_start3A_49] : memref<16x128xi32, #tpu.memory_space<vmem>> -> memref<1x128xi32, #tpu.memory_space<vmem>>
        %dma_start3A_51 = tpu.memref_squeeze %dma_start3A_50 : memref<1x128xi32, #tpu.memory_space<vmem>> -> memref<128xi32, #tpu.memory_space<vmem>>
        %dma_start3A_52 = arith.constant 0 : i32
        %dma_start3A_53 = arith.constant 0 : i32
        %dma_start3A_54 = tpu.memref_slice %arg2[%dma_start3A_52, %dma_start3A_53] : memref<20480x128xf32, #tpu.memory_space<hbm>> -> memref<20480x128xf32, #tpu.memory_space<hbm>>
        tpu.enqueue_indirect_dma source(%dma_start3A_54 : memref<20480x128xf32, #tpu.memory_space<hbm>>) target(%arg10 : memref<128x128xf32, #tpu.memory_space<vmem>>) offsets(%dma_start3A_51 : memref<128xi32, #tpu.memory_space<vmem>>) semaphore(%arg13 : memref<!tpu.dma_semaphore, #tpu.memory_space<semaphore_mem>>)
        %dma_wait3A = arith.constant 0 : i32
        %dma_wait3A_55 = tpu.memref_slice %arg7[%mul3A_39, %dma_wait3A] : memref<16x128xi32, #tpu.memory_space<vmem>> -> memref<1x128xi32, #tpu.memory_space<vmem>>
        %dma_wait3A_56 = tpu.memref_squeeze %dma_wait3A_55 : memref<1x128xi32, #tpu.memory_space<vmem>> -> memref<128xi32, #tpu.memory_space<vmem>>
        %dma_wait3A_57 = arith.constant 0 : i32
        %dma_wait3A_58 = arith.constant 0 : i32
        %dma_wait3A_59 = tpu.memref_slice %arg2[%dma_wait3A_57, %dma_wait3A_58] : memref<20480x128xf32, #tpu.memory_space<hbm>> -> memref<20480x128xf32, #tpu.memory_space<hbm>>
        tpu.wait_indirect_dma semaphore(%arg12 : memref<!tpu.dma_semaphore, #tpu.memory_space<semaphore_mem>>) src(%dma_wait3A_59 : memref<20480x128xf32, #tpu.memory_space<hbm>>) dst(%arg9 : memref<128x128xf32, #tpu.memory_space<vmem>>)
        %dma_start3A_60 = arith.constant 0 : i32
        %dma_start3A_61 = tpu.memref_slice %arg8[%mul3A_39, %dma_start3A_60] : memref<16x128xi32, #tpu.memory_space<vmem>> -> memref<1x128xi32, #tpu.memory_space<vmem>>
        %dma_start3A_62 = tpu.memref_squeeze %dma_start3A_61 : memref<1x128xi32, #tpu.memory_space<vmem>> -> memref<128xi32, #tpu.memory_space<vmem>>
        %dma_start3A_63 = arith.constant 0 : i32
        %dma_start3A_64 = arith.constant 0 : i32
        %dma_start3A_65 = tpu.memref_slice %arg11[%dma_start3A_63, %dma_start3A_64] : memref<10240x128xf32, #tpu.memory_space<vmem_shared>> -> memref<10240x128xf32, #tpu.memory_space<vmem_shared>>
        tpu.enqueue_indirect_dma source(%arg9 : memref<128x128xf32, #tpu.memory_space<vmem>>) target(%dma_start3A_65 : memref<10240x128xf32, #tpu.memory_space<vmem_shared>>) offsets(%dma_start3A_62 : memref<128xi32, #tpu.memory_space<vmem>>) semaphore(%arg14 : memref<!tpu.dma_semaphore, #tpu.memory_space<semaphore_mem>>) {add = true}
        %dma_wait3A_66 = arith.constant 0 : i32
        %dma_wait3A_67 = tpu.memref_slice %arg7[%add3A_43, %dma_wait3A_66] : memref<16x128xi32, #tpu.memory_space<vmem>> -> memref<1x128xi32, #tpu.memory_space<vmem>>
        %dma_wait3A_68 = tpu.memref_squeeze %dma_wait3A_67 : memref<1x128xi32, #tpu.memory_space<vmem>> -> memref<128xi32, #tpu.memory_space<vmem>>
        %dma_wait3A_69 = arith.constant 0 : i32
        %dma_wait3A_70 = arith.constant 0 : i32
        %dma_wait3A_71 = tpu.memref_slice %arg2[%dma_wait3A_69, %dma_wait3A_70] : memref<20480x128xf32, #tpu.memory_space<hbm>> -> memref<20480x128xf32, #tpu.memory_space<hbm>>
        tpu.wait_indirect_dma semaphore(%arg13 : memref<!tpu.dma_semaphore, #tpu.memory_space<semaphore_mem>>) src(%dma_wait3A_71 : memref<20480x128xf32, #tpu.memory_space<hbm>>) dst(%arg10 : memref<128x128xf32, #tpu.memory_space<vmem>>)
        %dma_start3A_72 = arith.constant 0 : i32
        %dma_start3A_73 = tpu.memref_slice %arg8[%add3A_43, %dma_start3A_72] : memref<16x128xi32, #tpu.memory_space<vmem>> -> memref<1x128xi32, #tpu.memory_space<vmem>>
        %dma_start3A_74 = tpu.memref_squeeze %dma_start3A_73 : memref<1x128xi32, #tpu.memory_space<vmem>> -> memref<128xi32, #tpu.memory_space<vmem>>
        %dma_start3A_75 = arith.constant 0 : i32
        %dma_start3A_76 = arith.constant 0 : i32
        %dma_start3A_77 = tpu.memref_slice %arg11[%dma_start3A_75, %dma_start3A_76] : memref<10240x128xf32, #tpu.memory_space<vmem_shared>> -> memref<10240x128xf32, #tpu.memory_space<vmem_shared>>
        tpu.enqueue_indirect_dma source(%arg10 : memref<128x128xf32, #tpu.memory_space<vmem>>) target(%dma_start3A_77 : memref<10240x128xf32, #tpu.memory_space<vmem_shared>>) offsets(%dma_start3A_74 : memref<128xi32, #tpu.memory_space<vmem>>) semaphore(%arg15 : memref<!tpu.dma_semaphore, #tpu.memory_space<semaphore_mem>>) {add = true}
        %dma_wait3A_78 = arith.constant 0 : i32
        %dma_wait3A_79 = tpu.memref_slice %arg8[%mul3A_39, %dma_wait3A_78] : memref<16x128xi32, #tpu.memory_space<vmem>> -> memref<1x128xi32, #tpu.memory_space<vmem>>
        %dma_wait3A_80 = tpu.memref_squeeze %dma_wait3A_79 : memref<1x128xi32, #tpu.memory_space<vmem>> -> memref<128xi32, #tpu.memory_space<vmem>>
        %dma_wait3A_81 = arith.constant 0 : i32
        %dma_wait3A_82 = arith.constant 0 : i32
        %dma_wait3A_83 = tpu.memref_slice %arg11[%dma_wait3A_81, %dma_wait3A_82] : memref<10240x128xf32, #tpu.memory_space<vmem_shared>> -> memref<10240x128xf32, #tpu.memory_space<vmem_shared>>
        tpu.wait_indirect_dma semaphore(%arg14 : memref<!tpu.dma_semaphore, #tpu.memory_space<semaphore_mem>>) src(%arg9 : memref<128x128xf32, #tpu.memory_space<vmem>>) dst(%dma_wait3A_83 : memref<10240x128xf32, #tpu.memory_space<vmem_shared>>)
        %dma_wait3A_84 = arith.constant 0 : i32
        %dma_wait3A_85 = tpu.memref_slice %arg8[%add3A_43, %dma_wait3A_84] : memref<16x128xi32, #tpu.memory_space<vmem>> -> memref<1x128xi32, #tpu.memory_space<vmem>>
        %dma_wait3A_86 = tpu.memref_squeeze %dma_wait3A_85 : memref<1x128xi32, #tpu.memory_space<vmem>> -> memref<128xi32, #tpu.memory_space<vmem>>
        %dma_wait3A_87 = arith.constant 0 : i32
        %dma_wait3A_88 = arith.constant 0 : i32
        %dma_wait3A_89 = tpu.memref_slice %arg11[%dma_wait3A_87, %dma_wait3A_88] : memref<10240x128xf32, #tpu.memory_space<vmem_shared>> -> memref<10240x128xf32, #tpu.memory_space<vmem_shared>>
        tpu.wait_indirect_dma semaphore(%arg15 : memref<!tpu.dma_semaphore, #tpu.memory_space<semaphore_mem>>) src(%arg10 : memref<128x128xf32, #tpu.memory_space<vmem>>) dst(%dma_wait3A_89 : memref<10240x128xf32, #tpu.memory_space<vmem_shared>>)
      }
      %scan3A_36 = arith.constant 8 : i32
    }
    %scan3A_13 = arith.constant 10 : i32
    %barrier3A_14 = arith.constant 0 : index
    tpu.barrier barrier_id(%barrier3A_14)
    %mul3A_15 = arith.constant 10240 : i32
    %mul3A_16 = arith.muli %arg0, %mul3A_15 : i32
    %add3A_17 = arith.addi %mul3A_16, %mul3A_0 : i32
    "tpu.region"() ({
      %run_scoped3A = tpu.sem_alloc : memref<!tpu.dma_semaphore, #tpu.memory_space<semaphore_mem>>
      %dma_start3A = arith.constant 0 : i32
      %dma_start3A_18 = tpu.memref_slice %arg6[%add3A_17, %dma_start3A] : memref<20480x128xf32, #tpu.memory_space<hbm>> -> memref<640x128xf32, #tpu.memory_space<hbm>>
      %dma_start3A_19 = arith.constant 0 : i32
      %dma_start3A_20 = tpu.memref_slice %arg11[%mul3A_0, %dma_start3A_19] : memref<10240x128xf32, #tpu.memory_space<vmem_shared>> -> memref<640x128xf32, #tpu.memory_space<vmem_shared>>
      tpu.enqueue_dma source(%dma_start3A_20 : memref<640x128xf32, #tpu.memory_space<vmem_shared>>) target(%dma_start3A_18 : memref<640x128xf32, #tpu.memory_space<hbm>>) target_semaphore(%run_scoped3A : memref<!tpu.dma_semaphore, #tpu.memory_space<semaphore_mem>>)
      %dma_wait3A = arith.constant 0 : i32
      %dma_wait3A_21 = tpu.memref_slice %arg6[%add3A_17, %dma_wait3A] : memref<20480x128xf32, #tpu.memory_space<hbm>> -> memref<640x128xf32, #tpu.memory_space<hbm>>
      %dma_wait3A_22 = arith.constant 0 : i32
      %dma_wait3A_23 = tpu.memref_slice %arg11[%mul3A_0, %dma_wait3A_22] : memref<10240x128xf32, #tpu.memory_space<vmem_shared>> -> memref<640x128xf32, #tpu.memory_space<vmem_shared>>
      tpu.wait_dma2 semaphore(%run_scoped3A : memref<!tpu.dma_semaphore, #tpu.memory_space<semaphore_mem>>) src(%dma_wait3A_23 : memref<640x128xf32, #tpu.memory_space<vmem_shared>>) dst(%dma_wait3A_21 : memref<640x128xf32, #tpu.memory_space<hbm>>)
      tpu.yield
    }) : () -> ()
    return
  }
}

#map = affine_map<(d0, d1) -> (0, 0)>
module attributes {stable_mosaic.version = 14 : i64} {
  func.func @_deg_kernel(%arg0: i32, %arg1: i32, %arg2: memref<2560x128xi32, #tpu.memory_space<hbm>>, %arg3: memref<2x10240xf32, #tpu.memory_space<hbm>>, %arg4: memref<80x128xi32, #tpu.memory_space<vmem>>, %arg5: memref<128xf32, #tpu.memory_space<vmem>>, %arg6: memref<640xf32, #tpu.memory_space<vmem>>, %arg7: memref<10240xf32, #tpu.memory_space<vmem_shared>>) attributes {dimension_semantics = [#tpu.dimension_semantics<core_parallel>, #tpu.dimension_semantics<subcore_parallel>], iteration_bounds = array<i64: 2, 16>, scalar_prefetch = 0 : i64, scratch_operands = 4 : i64, tpu.core_type = #tpu.core_type<sc_vector_subcore>, window_params = [{transform_indices = #map}, {transform_indices = #map}]} {
    %broadcast_in_dim3A = arith.constant 1.000000e+00 : f32
    %broadcast_in_dim3A_0 = vector.broadcast %broadcast_in_dim3A : f32 to vector<16xf32>
    %swap3A = arith.constant 0 : index
    %swap3A_1 = tpu.vector_load %arg5[%swap3A] {strides = array<i32>} : memref<128xf32, #tpu.memory_space<vmem>>, vector<16xf32>,
    %swap3A_2 = vector.shape_cast %swap3A_1 : vector<16xf32> to vector<16xf32>
    %swap3A_3 = vector.shape_cast %broadcast_in_dim3A_0 : vector<16xf32> to vector<16xf32>
    tpu.vector_store %arg5[%swap3A], %swap3A_3 {strides = array<i32>} : memref<128xf32, #tpu.memory_space<vmem>>, vector<16xf32>,
    %broadcast_in_dim3A_4 = arith.constant 1.000000e+00 : f32
    %broadcast_in_dim3A_5 = vector.broadcast %broadcast_in_dim3A_4 : f32 to vector<16xf32>
    %swap3A_6 = arith.constant 16 : index
    %swap3A_7 = tpu.vector_load %arg5[%swap3A_6] {strides = array<i32>} : memref<128xf32, #tpu.memory_space<vmem>>, vector<16xf32>,
    %swap3A_8 = vector.shape_cast %swap3A_7 : vector<16xf32> to vector<16xf32>
    %swap3A_9 = vector.shape_cast %broadcast_in_dim3A_5 : vector<16xf32> to vector<16xf32>
    tpu.vector_store %arg5[%swap3A_6], %swap3A_9 {strides = array<i32>} : memref<128xf32, #tpu.memory_space<vmem>>, vector<16xf32>,
    %broadcast_in_dim3A_10 = arith.constant 1.000000e+00 : f32
    %broadcast_in_dim3A_11 = vector.broadcast %broadcast_in_dim3A_10 : f32 to vector<16xf32>
    %swap3A_12 = arith.constant 32 : index
    %swap3A_13 = tpu.vector_load %arg5[%swap3A_12] {strides = array<i32>} : memref<128xf32, #tpu.memory_space<vmem>>, vector<16xf32>,
    %swap3A_14 = vector.shape_cast %swap3A_13 : vector<16xf32> to vector<16xf32>
    %swap3A_15 = vector.shape_cast %broadcast_in_dim3A_11 : vector<16xf32> to vector<16xf32>
    tpu.vector_store %arg5[%swap3A_12], %swap3A_15 {strides = array<i32>} : memref<128xf32, #tpu.memory_space<vmem>>, vector<16xf32>,
    %broadcast_in_dim3A_16 = arith.constant 1.000000e+00 : f32
    %broadcast_in_dim3A_17 = vector.broadcast %broadcast_in_dim3A_16 : f32 to vector<16xf32>
    %swap3A_18 = arith.constant 48 : index
    %swap3A_19 = tpu.vector_load %arg5[%swap3A_18] {strides = array<i32>} : memref<128xf32, #tpu.memory_space<vmem>>, vector<16xf32>,
    %swap3A_20 = vector.shape_cast %swap3A_19 : vector<16xf32> to vector<16xf32>
    %swap3A_21 = vector.shape_cast %broadcast_in_dim3A_17 : vector<16xf32> to vector<16xf32>
    tpu.vector_store %arg5[%swap3A_18], %swap3A_21 {strides = array<i32>} : memref<128xf32, #tpu.memory_space<vmem>>, vector<16xf32>,
    %broadcast_in_dim3A_22 = arith.constant 1.000000e+00 : f32
    %broadcast_in_dim3A_23 = vector.broadcast %broadcast_in_dim3A_22 : f32 to vector<16xf32>
    %swap3A_24 = arith.constant 64 : index
    %swap3A_25 = tpu.vector_load %arg5[%swap3A_24] {strides = array<i32>} : memref<128xf32, #tpu.memory_space<vmem>>, vector<16xf32>,
    %swap3A_26 = vector.shape_cast %swap3A_25 : vector<16xf32> to vector<16xf32>
    %swap3A_27 = vector.shape_cast %broadcast_in_dim3A_23 : vector<16xf32> to vector<16xf32>
    tpu.vector_store %arg5[%swap3A_24], %swap3A_27 {strides = array<i32>} : memref<128xf32, #tpu.memory_space<vmem>>, vector<16xf32>,
    %broadcast_in_dim3A_28 = arith.constant 1.000000e+00 : f32
    %broadcast_in_dim3A_29 = vector.broadcast %broadcast_in_dim3A_28 : f32 to vector<16xf32>
    %swap3A_30 = arith.constant 80 : index
    %swap3A_31 = tpu.vector_load %arg5[%swap3A_30] {strides = array<i32>} : memref<128xf32, #tpu.memory_space<vmem>>, vector<16xf32>,
    %swap3A_32 = vector.shape_cast %swap3A_31 : vector<16xf32> to vector<16xf32>
    %swap3A_33 = vector.shape_cast %broadcast_in_dim3A_29 : vector<16xf32> to vector<16xf32>
    tpu.vector_store %arg5[%swap3A_30], %swap3A_33 {strides = array<i32>} : memref<128xf32, #tpu.memory_space<vmem>>, vector<16xf32>,
    %broadcast_in_dim3A_34 = arith.constant 1.000000e+00 : f32
    %broadcast_in_dim3A_35 = vector.broadcast %broadcast_in_dim3A_34 : f32 to vector<16xf32>
    %swap3A_36 = arith.constant 96 : index
    %swap3A_37 = tpu.vector_load %arg5[%swap3A_36] {strides = array<i32>} : memref<128xf32, #tpu.memory_space<vmem>>, vector<16xf32>,
    %swap3A_38 = vector.shape_cast %swap3A_37 : vector<16xf32> to vector<16xf32>
    %swap3A_39 = vector.shape_cast %broadcast_in_dim3A_35 : vector<16xf32> to vector<16xf32>
    tpu.vector_store %arg5[%swap3A_36], %swap3A_39 {strides = array<i32>} : memref<128xf32, #tpu.memory_space<vmem>>, vector<16xf32>,
    %broadcast_in_dim3A_40 = arith.constant 1.000000e+00 : f32
    %broadcast_in_dim3A_41 = vector.broadcast %broadcast_in_dim3A_40 : f32 to vector<16xf32>
    %swap3A_42 = arith.constant 112 : index
    %swap3A_43 = tpu.vector_load %arg5[%swap3A_42] {strides = array<i32>} : memref<128xf32, #tpu.memory_space<vmem>>, vector<16xf32>,
    %swap3A_44 = vector.shape_cast %swap3A_43 : vector<16xf32> to vector<16xf32>
    %swap3A_45 = vector.shape_cast %broadcast_in_dim3A_41 : vector<16xf32> to vector<16xf32>
    tpu.vector_store %arg5[%swap3A_42], %swap3A_45 {strides = array<i32>} : memref<128xf32, #tpu.memory_space<vmem>>, vector<16xf32>,
    %broadcast_in_dim3A_46 = arith.constant 0.000000e+00 : f32
    %broadcast_in_dim3A_47 = vector.broadcast %broadcast_in_dim3A_46 : f32 to vector<16xf32>
    %swap3A_48 = arith.constant 0 : index
    %swap3A_49 = tpu.vector_load %arg6[%swap3A_48] {strides = array<i32>} : memref<640xf32, #tpu.memory_space<vmem>>, vector<16xf32>,
    %swap3A_50 = vector.shape_cast %swap3A_49 : vector<16xf32> to vector<16xf32>
    %swap3A_51 = vector.shape_cast %broadcast_in_dim3A_47 : vector<16xf32> to vector<16xf32>
    tpu.vector_store %arg6[%swap3A_48], %swap3A_51 {strides = array<i32>} : memref<640xf32, #tpu.memory_space<vmem>>, vector<16xf32>,
    %broadcast_in_dim3A_52 = arith.constant 0.000000e+00 : f32
    %broadcast_in_dim3A_53 = vector.broadcast %broadcast_in_dim3A_52 : f32 to vector<16xf32>
    %swap3A_54 = arith.constant 16 : index
    %swap3A_55 = tpu.vector_load %arg6[%swap3A_54] {strides = array<i32>} : memref<640xf32, #tpu.memory_space<vmem>>, vector<16xf32>,
    %swap3A_56 = vector.shape_cast %swap3A_55 : vector<16xf32> to vector<16xf32>
    %swap3A_57 = vector.shape_cast %broadcast_in_dim3A_53 : vector<16xf32> to vector<16xf32>
    tpu.vector_store %arg6[%swap3A_54], %swap3A_57 {strides = array<i32>} : memref<640xf32, #tpu.memory_space<vmem>>, vector<16xf32>,
    %broadcast_in_dim3A_58 = arith.constant 0.000000e+00 : f32
    %broadcast_in_dim3A_59 = vector.broadcast %broadcast_in_dim3A_58 : f32 to vector<16xf32>
    %swap3A_60 = arith.constant 32 : index
    %swap3A_61 = tpu.vector_load %arg6[%swap3A_60] {strides = array<i32>} : memref<640xf32, #tpu.memory_space<vmem>>, vector<16xf32>,
    %swap3A_62 = vector.shape_cast %swap3A_61 : vector<16xf32> to vector<16xf32>
    %swap3A_63 = vector.shape_cast %broadcast_in_dim3A_59 : vector<16xf32> to vector<16xf32>
    tpu.vector_store %arg6[%swap3A_60], %swap3A_63 {strides = array<i32>} : memref<640xf32, #tpu.memory_space<vmem>>, vector<16xf32>,
    %broadcast_in_dim3A_64 = arith.constant 0.000000e+00 : f32
    %broadcast_in_dim3A_65 = vector.broadcast %broadcast_in_dim3A_64 : f32 to vector<16xf32>
    %swap3A_66 = arith.constant 48 : index
    %swap3A_67 = tpu.vector_load %arg6[%swap3A_66] {strides = array<i32>} : memref<640xf32, #tpu.memory_space<vmem>>, vector<16xf32>,
    %swap3A_68 = vector.shape_cast %swap3A_67 : vector<16xf32> to vector<16xf32>
    %swap3A_69 = vector.shape_cast %broadcast_in_dim3A_65 : vector<16xf32> to vector<16xf32>
    tpu.vector_store %arg6[%swap3A_66], %swap3A_69 {strides = array<i32>} : memref<640xf32, #tpu.memory_space<vmem>>, vector<16xf32>,
    %broadcast_in_dim3A_70 = arith.constant 0.000000e+00 : f32
    %broadcast_in_dim3A_71 = vector.broadcast %broadcast_in_dim3A_70 : f32 to vector<16xf32>
    %swap3A_72 = arith.constant 64 : index
    %swap3A_73 = tpu.vector_load %arg6[%swap3A_72] {strides = array<i32>} : memref<640xf32, #tpu.memory_space<vmem>>, vector<16xf32>,
    %swap3A_74 = vector.shape_cast %swap3A_73 : vector<16xf32> to vector<16xf32>
    %swap3A_75 = vector.shape_cast %broadcast_in_dim3A_71 : vector<16xf32> to vector<16xf32>
    tpu.vector_store %arg6[%swap3A_72], %swap3A_75 {strides = array<i32>} : memref<640xf32, #tpu.memory_space<vmem>>, vector<16xf32>,
    %broadcast_in_dim3A_76 = arith.constant 0.000000e+00 : f32
    %broadcast_in_dim3A_77 = vector.broadcast %broadcast_in_dim3A_76 : f32 to vector<16xf32>
    %swap3A_78 = arith.constant 80 : index
    %swap3A_79 = tpu.vector_load %arg6[%swap3A_78] {strides = array<i32>} : memref<640xf32, #tpu.memory_space<vmem>>, vector<16xf32>,
    %swap3A_80 = vector.shape_cast %swap3A_79 : vector<16xf32> to vector<16xf32>
    %swap3A_81 = vector.shape_cast %broadcast_in_dim3A_77 : vector<16xf32> to vector<16xf32>
    tpu.vector_store %arg6[%swap3A_78], %swap3A_81 {strides = array<i32>} : memref<640xf32, #tpu.memory_space<vmem>>, vector<16xf32>,
    %broadcast_in_dim3A_82 = arith.constant 0.000000e+00 : f32
    %broadcast_in_dim3A_83 = vector.broadcast %broadcast_in_dim3A_82 : f32 to vector<16xf32>
    %swap3A_84 = arith.constant 96 : index
    %swap3A_85 = tpu.vector_load %arg6[%swap3A_84] {strides = array<i32>} : memref<640xf32, #tpu.memory_space<vmem>>, vector<16xf32>,
    %swap3A_86 = vector.shape_cast %swap3A_85 : vector<16xf32> to vector<16xf32>
    %swap3A_87 = vector.shape_cast %broadcast_in_dim3A_83 : vector<16xf32> to vector<16xf32>
    tpu.vector_store %arg6[%swap3A_84], %swap3A_87 {strides = array<i32>} : memref<640xf32, #tpu.memory_space<vmem>>, vector<16xf32>,
    %broadcast_in_dim3A_88 = arith.constant 0.000000e+00 : f32
    %broadcast_in_dim3A_89 = vector.broadcast %broadcast_in_dim3A_88 : f32 to vector<16xf32>
    %swap3A_90 = arith.constant 112 : index
    %swap3A_91 = tpu.vector_load %arg6[%swap3A_90] {strides = array<i32>} : memref<640xf32, #tpu.memory_space<vmem>>, vector<16xf32>,
    %swap3A_92 = vector.shape_cast %swap3A_91 : vector<16xf32> to vector<16xf32>
    %swap3A_93 = vector.shape_cast %broadcast_in_dim3A_89 : vector<16xf32> to vector<16xf32>
    tpu.vector_store %arg6[%swap3A_90], %swap3A_93 {strides = array<i32>} : memref<640xf32, #tpu.memory_space<vmem>>, vector<16xf32>,
    %broadcast_in_dim3A_94 = arith.constant 0.000000e+00 : f32
    %broadcast_in_dim3A_95 = vector.broadcast %broadcast_in_dim3A_94 : f32 to vector<16xf32>
    %swap3A_96 = arith.constant 128 : index
    %swap3A_97 = tpu.vector_load %arg6[%swap3A_96] {strides = array<i32>} : memref<640xf32, #tpu.memory_space<vmem>>, vector<16xf32>,
    %swap3A_98 = vector.shape_cast %swap3A_97 : vector<16xf32> to vector<16xf32>
    %swap3A_99 = vector.shape_cast %broadcast_in_dim3A_95 : vector<16xf32> to vector<16xf32>
    tpu.vector_store %arg6[%swap3A_96], %swap3A_99 {strides = array<i32>} : memref<640xf32, #tpu.memory_space<vmem>>, vector<16xf32>,
    %broadcast_in_dim3A_100 = arith.constant 0.000000e+00 : f32
    %broadcast_in_dim3A_101 = vector.broadcast %broadcast_in_dim3A_100 : f32 to vector<16xf32>
    %swap3A_102 = arith.constant 144 : index
    %swap3A_103 = tpu.vector_load %arg6[%swap3A_102] {strides = array<i32>} : memref<640xf32, #tpu.memory_space<vmem>>, vector<16xf32>,
    %swap3A_104 = vector.shape_cast %swap3A_103 : vector<16xf32> to vector<16xf32>
    %swap3A_105 = vector.shape_cast %broadcast_in_dim3A_101 : vector<16xf32> to vector<16xf32>
    tpu.vector_store %arg6[%swap3A_102], %swap3A_105 {strides = array<i32>} : memref<640xf32, #tpu.memory_space<vmem>>, vector<16xf32>,
    %broadcast_in_dim3A_106 = arith.constant 0.000000e+00 : f32
    %broadcast_in_dim3A_107 = vector.broadcast %broadcast_in_dim3A_106 : f32 to vector<16xf32>
    %swap3A_108 = arith.constant 160 : index
    %swap3A_109 = tpu.vector_load %arg6[%swap3A_108] {strides = array<i32>} : memref<640xf32, #tpu.memory_space<vmem>>, vector<16xf32>,
    %swap3A_110 = vector.shape_cast %swap3A_109 : vector<16xf32> to vector<16xf32>
    %swap3A_111 = vector.shape_cast %broadcast_in_dim3A_107 : vector<16xf32> to vector<16xf32>
    tpu.vector_store %arg6[%swap3A_108], %swap3A_111 {strides = array<i32>} : memref<640xf32, #tpu.memory_space<vmem>>, vector<16xf32>,
    %broadcast_in_dim3A_112 = arith.constant 0.000000e+00 : f32
    %broadcast_in_dim3A_113 = vector.broadcast %broadcast_in_dim3A_112 : f32 to vector<16xf32>
    %swap3A_114 = arith.constant 176 : index
    %swap3A_115 = tpu.vector_load %arg6[%swap3A_114] {strides = array<i32>} : memref<640xf32, #tpu.memory_space<vmem>>, vector<16xf32>,
    %swap3A_116 = vector.shape_cast %swap3A_115 : vector<16xf32> to vector<16xf32>
    %swap3A_117 = vector.shape_cast %broadcast_in_dim3A_113 : vector<16xf32> to vector<16xf32>
    tpu.vector_store %arg6[%swap3A_114], %swap3A_117 {strides = array<i32>} : memref<640xf32, #tpu.memory_space<vmem>>, vector<16xf32>,
    %broadcast_in_dim3A_118 = arith.constant 0.000000e+00 : f32
    %broadcast_in_dim3A_119 = vector.broadcast %broadcast_in_dim3A_118 : f32 to vector<16xf32>
    %swap3A_120 = arith.constant 192 : index
    %swap3A_121 = tpu.vector_load %arg6[%swap3A_120] {strides = array<i32>} : memref<640xf32, #tpu.memory_space<vmem>>, vector<16xf32>,
    %swap3A_122 = vector.shape_cast %swap3A_121 : vector<16xf32> to vector<16xf32>
    %swap3A_123 = vector.shape_cast %broadcast_in_dim3A_119 : vector<16xf32> to vector<16xf32>
    tpu.vector_store %arg6[%swap3A_120], %swap3A_123 {strides = array<i32>} : memref<640xf32, #tpu.memory_space<vmem>>, vector<16xf32>,
    %broadcast_in_dim3A_124 = arith.constant 0.000000e+00 : f32
    %broadcast_in_dim3A_125 = vector.broadcast %broadcast_in_dim3A_124 : f32 to vector<16xf32>
    %swap3A_126 = arith.constant 208 : index
    %swap3A_127 = tpu.vector_load %arg6[%swap3A_126] {strides = array<i32>} : memref<640xf32, #tpu.memory_space<vmem>>, vector<16xf32>,
    %swap3A_128 = vector.shape_cast %swap3A_127 : vector<16xf32> to vector<16xf32>
    %swap3A_129 = vector.shape_cast %broadcast_in_dim3A_125 : vector<16xf32> to vector<16xf32>
    tpu.vector_store %arg6[%swap3A_126], %swap3A_129 {strides = array<i32>} : memref<640xf32, #tpu.memory_space<vmem>>, vector<16xf32>,
    %broadcast_in_dim3A_130 = arith.constant 0.000000e+00 : f32
    %broadcast_in_dim3A_131 = vector.broadcast %broadcast_in_dim3A_130 : f32 to vector<16xf32>
    %swap3A_132 = arith.constant 224 : index
    %swap3A_133 = tpu.vector_load %arg6[%swap3A_132] {strides = array<i32>} : memref<640xf32, #tpu.memory_space<vmem>>, vector<16xf32>,
    %swap3A_134 = vector.shape_cast %swap3A_133 : vector<16xf32> to vector<16xf32>
    %swap3A_135 = vector.shape_cast %broadcast_in_dim3A_131 : vector<16xf32> to vector<16xf32>
    tpu.vector_store %arg6[%swap3A_132], %swap3A_135 {strides = array<i32>} : memref<640xf32, #tpu.memory_space<vmem>>, vector<16xf32>,
    %broadcast_in_dim3A_136 = arith.constant 0.000000e+00 : f32
    %broadcast_in_dim3A_137 = vector.broadcast %broadcast_in_dim3A_136 : f32 to vector<16xf32>
    %swap3A_138 = arith.constant 240 : index
    %swap3A_139 = tpu.vector_load %arg6[%swap3A_138] {strides = array<i32>} : memref<640xf32, #tpu.memory_space<vmem>>, vector<16xf32>,
    %swap3A_140 = vector.shape_cast %swap3A_139 : vector<16xf32> to vector<16xf32>
    %swap3A_141 = vector.shape_cast %broadcast_in_dim3A_137 : vector<16xf32> to vector<16xf32>
    tpu.vector_store %arg6[%swap3A_138], %swap3A_141 {strides = array<i32>} : memref<640xf32, #tpu.memory_space<vmem>>, vector<16xf32>,
    %broadcast_in_dim3A_142 = arith.constant 0.000000e+00 : f32
    %broadcast_in_dim3A_143 = vector.broadcast %broadcast_in_dim3A_142 : f32 to vector<16xf32>
    %swap3A_144 = arith.constant 256 : index
    %swap3A_145 = tpu.vector_load %arg6[%swap3A_144] {strides = array<i32>} : memref<640xf32, #tpu.memory_space<vmem>>, vector<16xf32>,
    %swap3A_146 = vector.shape_cast %swap3A_145 : vector<16xf32> to vector<16xf32>
    %swap3A_147 = vector.shape_cast %broadcast_in_dim3A_143 : vector<16xf32> to vector<16xf32>
    tpu.vector_store %arg6[%swap3A_144], %swap3A_147 {strides = array<i32>} : memref<640xf32, #tpu.memory_space<vmem>>, vector<16xf32>,
    %broadcast_in_dim3A_148 = arith.constant 0.000000e+00 : f32
    %broadcast_in_dim3A_149 = vector.broadcast %broadcast_in_dim3A_148 : f32 to vector<16xf32>
    %swap3A_150 = arith.constant 272 : index
    %swap3A_151 = tpu.vector_load %arg6[%swap3A_150] {strides = array<i32>} : memref<640xf32, #tpu.memory_space<vmem>>, vector<16xf32>,
    %swap3A_152 = vector.shape_cast %swap3A_151 : vector<16xf32> to vector<16xf32>
    %swap3A_153 = vector.shape_cast %broadcast_in_dim3A_149 : vector<16xf32> to vector<16xf32>
    tpu.vector_store %arg6[%swap3A_150], %swap3A_153 {strides = array<i32>} : memref<640xf32, #tpu.memory_space<vmem>>, vector<16xf32>,
    %broadcast_in_dim3A_154 = arith.constant 0.000000e+00 : f32
    %broadcast_in_dim3A_155 = vector.broadcast %broadcast_in_dim3A_154 : f32 to vector<16xf32>
    %swap3A_156 = arith.constant 288 : index
    %swap3A_157 = tpu.vector_load %arg6[%swap3A_156] {strides = array<i32>} : memref<640xf32, #tpu.memory_space<vmem>>, vector<16xf32>,
    %swap3A_158 = vector.shape_cast %swap3A_157 : vector<16xf32> to vector<16xf32>
    %swap3A_159 = vector.shape_cast %broadcast_in_dim3A_155 : vector<16xf32> to vector<16xf32>
    tpu.vector_store %arg6[%swap3A_156], %swap3A_159 {strides = array<i32>} : memref<640xf32, #tpu.memory_space<vmem>>, vector<16xf32>,
    %broadcast_in_dim3A_160 = arith.constant 0.000000e+00 : f32
    %broadcast_in_dim3A_161 = vector.broadcast %broadcast_in_dim3A_160 : f32 to vector<16xf32>
    %swap3A_162 = arith.constant 304 : index
    %swap3A_163 = tpu.vector_load %arg6[%swap3A_162] {strides = array<i32>} : memref<640xf32, #tpu.memory_space<vmem>>, vector<16xf32>,
    %swap3A_164 = vector.shape_cast %swap3A_163 : vector<16xf32> to vector<16xf32>
    %swap3A_165 = vector.shape_cast %broadcast_in_dim3A_161 : vector<16xf32> to vector<16xf32>
    tpu.vector_store %arg6[%swap3A_162], %swap3A_165 {strides = array<i32>} : memref<640xf32, #tpu.memory_space<vmem>>, vector<16xf32>,
    %broadcast_in_dim3A_166 = arith.constant 0.000000e+00 : f32
    %broadcast_in_dim3A_167 = vector.broadcast %broadcast_in_dim3A_166 : f32 to vector<16xf32>
    %swap3A_168 = arith.constant 320 : index
    %swap3A_169 = tpu.vector_load %arg6[%swap3A_168] {strides = array<i32>} : memref<640xf32, #tpu.memory_space<vmem>>, vector<16xf32>,
    %swap3A_170 = vector.shape_cast %swap3A_169 : vector<16xf32> to vector<16xf32>
    %swap3A_171 = vector.shape_cast %broadcast_in_dim3A_167 : vector<16xf32> to vector<16xf32>
    tpu.vector_store %arg6[%swap3A_168], %swap3A_171 {strides = array<i32>} : memref<640xf32, #tpu.memory_space<vmem>>, vector<16xf32>,
    %broadcast_in_dim3A_172 = arith.constant 0.000000e+00 : f32
    %broadcast_in_dim3A_173 = vector.broadcast %broadcast_in_dim3A_172 : f32 to vector<16xf32>
    %swap3A_174 = arith.constant 336 : index
    %swap3A_175 = tpu.vector_load %arg6[%swap3A_174] {strides = array<i32>} : memref<640xf32, #tpu.memory_space<vmem>>, vector<16xf32>,
    %swap3A_176 = vector.shape_cast %swap3A_175 : vector<16xf32> to vector<16xf32>
    %swap3A_177 = vector.shape_cast %broadcast_in_dim3A_173 : vector<16xf32> to vector<16xf32>
    tpu.vector_store %arg6[%swap3A_174], %swap3A_177 {strides = array<i32>} : memref<640xf32, #tpu.memory_space<vmem>>, vector<16xf32>,
    %broadcast_in_dim3A_178 = arith.constant 0.000000e+00 : f32
    %broadcast_in_dim3A_179 = vector.broadcast %broadcast_in_dim3A_178 : f32 to vector<16xf32>
    %swap3A_180 = arith.constant 352 : index
    %swap3A_181 = tpu.vector_load %arg6[%swap3A_180] {strides = array<i32>} : memref<640xf32, #tpu.memory_space<vmem>>, vector<16xf32>,
    %swap3A_182 = vector.shape_cast %swap3A_181 : vector<16xf32> to vector<16xf32>
    %swap3A_183 = vector.shape_cast %broadcast_in_dim3A_179 : vector<16xf32> to vector<16xf32>
    tpu.vector_store %arg6[%swap3A_180], %swap3A_183 {strides = array<i32>} : memref<640xf32, #tpu.memory_space<vmem>>, vector<16xf32>,
    %broadcast_in_dim3A_184 = arith.constant 0.000000e+00 : f32
    %broadcast_in_dim3A_185 = vector.broadcast %broadcast_in_dim3A_184 : f32 to vector<16xf32>
    %swap3A_186 = arith.constant 368 : index
    %swap3A_187 = tpu.vector_load %arg6[%swap3A_186] {strides = array<i32>} : memref<640xf32, #tpu.memory_space<vmem>>, vector<16xf32>,
    %swap3A_188 = vector.shape_cast %swap3A_187 : vector<16xf32> to vector<16xf32>
    %swap3A_189 = vector.shape_cast %broadcast_in_dim3A_185 : vector<16xf32> to vector<16xf32>
    tpu.vector_store %arg6[%swap3A_186], %swap3A_189 {strides = array<i32>} : memref<640xf32, #tpu.memory_space<vmem>>, vector<16xf32>,
    %broadcast_in_dim3A_190 = arith.constant 0.000000e+00 : f32
    %broadcast_in_dim3A_191 = vector.broadcast %broadcast_in_dim3A_190 : f32 to vector<16xf32>
    %swap3A_192 = arith.constant 384 : index
    %swap3A_193 = tpu.vector_load %arg6[%swap3A_192] {strides = array<i32>} : memref<640xf32, #tpu.memory_space<vmem>>, vector<16xf32>,
    %swap3A_194 = vector.shape_cast %swap3A_193 : vector<16xf32> to vector<16xf32>
    %swap3A_195 = vector.shape_cast %broadcast_in_dim3A_191 : vector<16xf32> to vector<16xf32>
    tpu.vector_store %arg6[%swap3A_192], %swap3A_195 {strides = array<i32>} : memref<640xf32, #tpu.memory_space<vmem>>, vector<16xf32>,
    %broadcast_in_dim3A_196 = arith.constant 0.000000e+00 : f32
    %broadcast_in_dim3A_197 = vector.broadcast %broadcast_in_dim3A_196 : f32 to vector<16xf32>
    %swap3A_198 = arith.constant 400 : index
    %swap3A_199 = tpu.vector_load %arg6[%swap3A_198] {strides = array<i32>} : memref<640xf32, #tpu.memory_space<vmem>>, vector<16xf32>,
    %swap3A_200 = vector.shape_cast %swap3A_199 : vector<16xf32> to vector<16xf32>
    %swap3A_201 = vector.shape_cast %broadcast_in_dim3A_197 : vector<16xf32> to vector<16xf32>
    tpu.vector_store %arg6[%swap3A_198], %swap3A_201 {strides = array<i32>} : memref<640xf32, #tpu.memory_space<vmem>>, vector<16xf32>,
    %broadcast_in_dim3A_202 = arith.constant 0.000000e+00 : f32
    %broadcast_in_dim3A_203 = vector.broadcast %broadcast_in_dim3A_202 : f32 to vector<16xf32>
    %swap3A_204 = arith.constant 416 : index
    %swap3A_205 = tpu.vector_load %arg6[%swap3A_204] {strides = array<i32>} : memref<640xf32, #tpu.memory_space<vmem>>, vector<16xf32>,
    %swap3A_206 = vector.shape_cast %swap3A_205 : vector<16xf32> to vector<16xf32>
    %swap3A_207 = vector.shape_cast %broadcast_in_dim3A_203 : vector<16xf32> to vector<16xf32>
    tpu.vector_store %arg6[%swap3A_204], %swap3A_207 {strides = array<i32>} : memref<640xf32, #tpu.memory_space<vmem>>, vector<16xf32>,
    %broadcast_in_dim3A_208 = arith.constant 0.000000e+00 : f32
    %broadcast_in_dim3A_209 = vector.broadcast %broadcast_in_dim3A_208 : f32 to vector<16xf32>
    %swap3A_210 = arith.constant 432 : index
    %swap3A_211 = tpu.vector_load %arg6[%swap3A_210] {strides = array<i32>} : memref<640xf32, #tpu.memory_space<vmem>>, vector<16xf32>,
    %swap3A_212 = vector.shape_cast %swap3A_211 : vector<16xf32> to vector<16xf32>
    %swap3A_213 = vector.shape_cast %broadcast_in_dim3A_209 : vector<16xf32> to vector<16xf32>
    tpu.vector_store %arg6[%swap3A_210], %swap3A_213 {strides = array<i32>} : memref<640xf32, #tpu.memory_space<vmem>>, vector<16xf32>,
    %broadcast_in_dim3A_214 = arith.constant 0.000000e+00 : f32
    %broadcast_in_dim3A_215 = vector.broadcast %broadcast_in_dim3A_214 : f32 to vector<16xf32>
    %swap3A_216 = arith.constant 448 : index
    %swap3A_217 = tpu.vector_load %arg6[%swap3A_216] {strides = array<i32>} : memref<640xf32, #tpu.memory_space<vmem>>, vector<16xf32>,
    %swap3A_218 = vector.shape_cast %swap3A_217 : vector<16xf32> to vector<16xf32>
    %swap3A_219 = vector.shape_cast %broadcast_in_dim3A_215 : vector<16xf32> to vector<16xf32>
    tpu.vector_store %arg6[%swap3A_216], %swap3A_219 {strides = array<i32>} : memref<640xf32, #tpu.memory_space<vmem>>, vector<16xf32>,
    %broadcast_in_dim3A_220 = arith.constant 0.000000e+00 : f32
    %broadcast_in_dim3A_221 = vector.broadcast %broadcast_in_dim3A_220 : f32 to vector<16xf32>
    %swap3A_222 = arith.constant 464 : index
    %swap3A_223 = tpu.vector_load %arg6[%swap3A_222] {strides = array<i32>} : memref<640xf32, #tpu.memory_space<vmem>>, vector<16xf32>,
    %swap3A_224 = vector.shape_cast %swap3A_223 : vector<16xf32> to vector<16xf32>
    %swap3A_225 = vector.shape_cast %broadcast_in_dim3A_221 : vector<16xf32> to vector<16xf32>
    tpu.vector_store %arg6[%swap3A_222], %swap3A_225 {strides = array<i32>} : memref<640xf32, #tpu.memory_space<vmem>>, vector<16xf32>,
    %broadcast_in_dim3A_226 = arith.constant 0.000000e+00 : f32
    %broadcast_in_dim3A_227 = vector.broadcast %broadcast_in_dim3A_226 : f32 to vector<16xf32>
    %swap3A_228 = arith.constant 480 : index
    %swap3A_229 = tpu.vector_load %arg6[%swap3A_228] {strides = array<i32>} : memref<640xf32, #tpu.memory_space<vmem>>, vector<16xf32>,
    %swap3A_230 = vector.shape_cast %swap3A_229 : vector<16xf32> to vector<16xf32>
    %swap3A_231 = vector.shape_cast %broadcast_in_dim3A_227 : vector<16xf32> to vector<16xf32>
    tpu.vector_store %arg6[%swap3A_228], %swap3A_231 {strides = array<i32>} : memref<640xf32, #tpu.memory_space<vmem>>, vector<16xf32>,
    %broadcast_in_dim3A_232 = arith.constant 0.000000e+00 : f32
    %broadcast_in_dim3A_233 = vector.broadcast %broadcast_in_dim3A_232 : f32 to vector<16xf32>
    %swap3A_234 = arith.constant 496 : index
    %swap3A_235 = tpu.vector_load %arg6[%swap3A_234] {strides = array<i32>} : memref<640xf32, #tpu.memory_space<vmem>>, vector<16xf32>,
    %swap3A_236 = vector.shape_cast %swap3A_235 : vector<16xf32> to vector<16xf32>
    %swap3A_237 = vector.shape_cast %broadcast_in_dim3A_233 : vector<16xf32> to vector<16xf32>
    tpu.vector_store %arg6[%swap3A_234], %swap3A_237 {strides = array<i32>} : memref<640xf32, #tpu.memory_space<vmem>>, vector<16xf32>,
    %broadcast_in_dim3A_238 = arith.constant 0.000000e+00 : f32
    %broadcast_in_dim3A_239 = vector.broadcast %broadcast_in_dim3A_238 : f32 to vector<16xf32>
    %swap3A_240 = arith.constant 512 : index
    %swap3A_241 = tpu.vector_load %arg6[%swap3A_240] {strides = array<i32>} : memref<640xf32, #tpu.memory_space<vmem>>, vector<16xf32>,
    %swap3A_242 = vector.shape_cast %swap3A_241 : vector<16xf32> to vector<16xf32>
    %swap3A_243 = vector.shape_cast %broadcast_in_dim3A_239 : vector<16xf32> to vector<16xf32>
    tpu.vector_store %arg6[%swap3A_240], %swap3A_243 {strides = array<i32>} : memref<640xf32, #tpu.memory_space<vmem>>, vector<16xf32>,
    %broadcast_in_dim3A_244 = arith.constant 0.000000e+00 : f32
    %broadcast_in_dim3A_245 = vector.broadcast %broadcast_in_dim3A_244 : f32 to vector<16xf32>
    %swap3A_246 = arith.constant 528 : index
    %swap3A_247 = tpu.vector_load %arg6[%swap3A_246] {strides = array<i32>} : memref<640xf32, #tpu.memory_space<vmem>>, vector<16xf32>,
    %swap3A_248 = vector.shape_cast %swap3A_247 : vector<16xf32> to vector<16xf32>
    %swap3A_249 = vector.shape_cast %broadcast_in_dim3A_245 : vector<16xf32> to vector<16xf32>
    tpu.vector_store %arg6[%swap3A_246], %swap3A_249 {strides = array<i32>} : memref<640xf32, #tpu.memory_space<vmem>>, vector<16xf32>,
    %broadcast_in_dim3A_250 = arith.constant 0.000000e+00 : f32
    %broadcast_in_dim3A_251 = vector.broadcast %broadcast_in_dim3A_250 : f32 to vector<16xf32>
    %swap3A_252 = arith.constant 544 : index
    %swap3A_253 = tpu.vector_load %arg6[%swap3A_252] {strides = array<i32>} : memref<640xf32, #tpu.memory_space<vmem>>, vector<16xf32>,
    %swap3A_254 = vector.shape_cast %swap3A_253 : vector<16xf32> to vector<16xf32>
    %swap3A_255 = vector.shape_cast %broadcast_in_dim3A_251 : vector<16xf32> to vector<16xf32>
    tpu.vector_store %arg6[%swap3A_252], %swap3A_255 {strides = array<i32>} : memref<640xf32, #tpu.memory_space<vmem>>, vector<16xf32>,
    %broadcast_in_dim3A_256 = arith.constant 0.000000e+00 : f32
    %broadcast_in_dim3A_257 = vector.broadcast %broadcast_in_dim3A_256 : f32 to vector<16xf32>
    %swap3A_258 = arith.constant 560 : index
    %swap3A_259 = tpu.vector_load %arg6[%swap3A_258] {strides = array<i32>} : memref<640xf32, #tpu.memory_space<vmem>>, vector<16xf32>,
    %swap3A_260 = vector.shape_cast %swap3A_259 : vector<16xf32> to vector<16xf32>
    %swap3A_261 = vector.shape_cast %broadcast_in_dim3A_257 : vector<16xf32> to vector<16xf32>
    tpu.vector_store %arg6[%swap3A_258], %swap3A_261 {strides = array<i32>} : memref<640xf32, #tpu.memory_space<vmem>>, vector<16xf32>,
    %broadcast_in_dim3A_262 = arith.constant 0.000000e+00 : f32
    %broadcast_in_dim3A_263 = vector.broadcast %broadcast_in_dim3A_262 : f32 to vector<16xf32>
    %swap3A_264 = arith.constant 576 : index
    %swap3A_265 = tpu.vector_load %arg6[%swap3A_264] {strides = array<i32>} : memref<640xf32, #tpu.memory_space<vmem>>, vector<16xf32>,
    %swap3A_266 = vector.shape_cast %swap3A_265 : vector<16xf32> to vector<16xf32>
    %swap3A_267 = vector.shape_cast %broadcast_in_dim3A_263 : vector<16xf32> to vector<16xf32>
    tpu.vector_store %arg6[%swap3A_264], %swap3A_267 {strides = array<i32>} : memref<640xf32, #tpu.memory_space<vmem>>, vector<16xf32>,
    %broadcast_in_dim3A_268 = arith.constant 0.000000e+00 : f32
    %broadcast_in_dim3A_269 = vector.broadcast %broadcast_in_dim3A_268 : f32 to vector<16xf32>
    %swap3A_270 = arith.constant 592 : index
    %swap3A_271 = tpu.vector_load %arg6[%swap3A_270] {strides = array<i32>} : memref<640xf32, #tpu.memory_space<vmem>>, vector<16xf32>,
    %swap3A_272 = vector.shape_cast %swap3A_271 : vector<16xf32> to vector<16xf32>
    %swap3A_273 = vector.shape_cast %broadcast_in_dim3A_269 : vector<16xf32> to vector<16xf32>
    tpu.vector_store %arg6[%swap3A_270], %swap3A_273 {strides = array<i32>} : memref<640xf32, #tpu.memory_space<vmem>>, vector<16xf32>,
    %broadcast_in_dim3A_274 = arith.constant 0.000000e+00 : f32
    %broadcast_in_dim3A_275 = vector.broadcast %broadcast_in_dim3A_274 : f32 to vector<16xf32>
    %swap3A_276 = arith.constant 608 : index
    %swap3A_277 = tpu.vector_load %arg6[%swap3A_276] {strides = array<i32>} : memref<640xf32, #tpu.memory_space<vmem>>, vector<16xf32>,
    %swap3A_278 = vector.shape_cast %swap3A_277 : vector<16xf32> to vector<16xf32>
    %swap3A_279 = vector.shape_cast %broadcast_in_dim3A_275 : vector<16xf32> to vector<16xf32>
    tpu.vector_store %arg6[%swap3A_276], %swap3A_279 {strides = array<i32>} : memref<640xf32, #tpu.memory_space<vmem>>, vector<16xf32>,
    %broadcast_in_dim3A_280 = arith.constant 0.000000e+00 : f32
    %broadcast_in_dim3A_281 = vector.broadcast %broadcast_in_dim3A_280 : f32 to vector<16xf32>
    %swap3A_282 = arith.constant 624 : index
    %swap3A_283 = tpu.vector_load %arg6[%swap3A_282] {strides = array<i32>} : memref<640xf32, #tpu.memory_space<vmem>>, vector<16xf32>,
    %swap3A_284 = vector.shape_cast %swap3A_283 : vector<16xf32> to vector<16xf32>
    %swap3A_285 = vector.shape_cast %broadcast_in_dim3A_281 : vector<16xf32> to vector<16xf32>
    tpu.vector_store %arg6[%swap3A_282], %swap3A_285 {strides = array<i32>} : memref<640xf32, #tpu.memory_space<vmem>>, vector<16xf32>,
    %mul3A = arith.constant 640 : i32
    %mul3A_286 = arith.muli %arg1, %mul3A : i32
    "tpu.region"() ({
      %run_scoped3A = tpu.sem_alloc : memref<!tpu.dma_semaphore, #tpu.memory_space<semaphore_mem>>
      %dma_start3A = tpu.memref_slice %arg7[%mul3A_286] : memref<10240xf32, #tpu.memory_space<vmem_shared>> -> memref<640xf32, #tpu.memory_space<vmem_shared>>
      %dma_start3A_300 = tpu.memref_slice %arg7[%mul3A_286] : memref<10240xf32, #tpu.memory_space<vmem_shared>> -> memref<640xf32, #tpu.memory_space<vmem_shared>>
      tpu.enqueue_dma source(%arg6 : memref<640xf32, #tpu.memory_space<vmem>>) target(%dma_start3A_300 : memref<640xf32, #tpu.memory_space<vmem_shared>>) target_semaphore(%run_scoped3A : memref<!tpu.dma_semaphore, #tpu.memory_space<semaphore_mem>>)
      %dma_wait3A = tpu.memref_slice %arg7[%mul3A_286] : memref<10240xf32, #tpu.memory_space<vmem_shared>> -> memref<640xf32, #tpu.memory_space<vmem_shared>>
      %dma_wait3A_301 = tpu.memref_slice %arg7[%mul3A_286] : memref<10240xf32, #tpu.memory_space<vmem_shared>> -> memref<640xf32, #tpu.memory_space<vmem_shared>>
      tpu.wait_dma2 semaphore(%run_scoped3A : memref<!tpu.dma_semaphore, #tpu.memory_space<semaphore_mem>>) src(%arg6 : memref<640xf32, #tpu.memory_space<vmem>>) dst(%dma_wait3A_301 : memref<640xf32, #tpu.memory_space<vmem_shared>>)
      tpu.yield
    }) : () -> ()
    %mul3A_287 = arith.constant 16 : i32
    %mul3A_288 = arith.muli %arg0, %mul3A_287 : i32
    %add3A = arith.addi %mul3A_288, %arg1 : i32
    %mul3A_289 = arith.constant 80 : i32
    %mul3A_290 = arith.muli %add3A, %mul3A_289 : i32
    "tpu.region"() ({
      %run_scoped3A = tpu.sem_alloc : memref<!tpu.dma_semaphore, #tpu.memory_space<semaphore_mem>>
      %dma_start3A = arith.constant 0 : i32
      %dma_start3A_300 = tpu.memref_slice %arg2[%mul3A_290, %dma_start3A] : memref<2560x128xi32, #tpu.memory_space<hbm>> -> memref<80x128xi32, #tpu.memory_space<hbm>>
      %dma_start3A_301 = arith.constant 0 : i32
      %dma_start3A_302 = tpu.memref_slice %arg2[%mul3A_290, %dma_start3A_301] : memref<2560x128xi32, #tpu.memory_space<hbm>> -> memref<80x128xi32, #tpu.memory_space<hbm>>
      tpu.enqueue_dma source(%dma_start3A_302 : memref<80x128xi32, #tpu.memory_space<hbm>>) target(%arg4 : memref<80x128xi32, #tpu.memory_space<vmem>>) target_semaphore(%run_scoped3A : memref<!tpu.dma_semaphore, #tpu.memory_space<semaphore_mem>>)
      %dma_wait3A = arith.constant 0 : i32
      %dma_wait3A_303 = tpu.memref_slice %arg2[%mul3A_290, %dma_wait3A] : memref<2560x128xi32, #tpu.memory_space<hbm>> -> memref<80x128xi32, #tpu.memory_space<hbm>>
      %dma_wait3A_304 = arith.constant 0 : i32
      %dma_wait3A_305 = tpu.memref_slice %arg2[%mul3A_290, %dma_wait3A_304] : memref<2560x128xi32, #tpu.memory_space<hbm>> -> memref<80x128xi32, #tpu.memory_space<hbm>>
      tpu.wait_dma2 semaphore(%run_scoped3A : memref<!tpu.dma_semaphore, #tpu.memory_space<semaphore_mem>>) src(%dma_wait3A_305 : memref<80x128xi32, #tpu.memory_space<hbm>>) dst(%arg4 : memref<80x128xi32, #tpu.memory_space<vmem>>)
      tpu.yield
    }) : () -> ()
    %barrier3A = arith.constant 0 : index
    tpu.barrier barrier_id(%barrier3A)
    %scan3A = arith.constant 0 : i32
    %scan3A_291 = arith.constant 80 : i32
    %scan3A_292 = arith.addi %scan3A, %scan3A_291 : i32
    %scan3A_293 = arith.constant 1 : i32
    scf.for %scan3A_300 = %scan3A to %scan3A_292 step %scan3A_293  : i32 {
      "tpu.region"() ({
        %run_scoped3A = tpu.sem_alloc : memref<!tpu.dma_semaphore, #tpu.memory_space<semaphore_mem>>
        %dma_start3A = arith.constant 0 : i32
        %dma_start3A_301 = tpu.memref_slice %arg4[%scan3A_300, %dma_start3A] : memref<80x128xi32, #tpu.memory_space<vmem>> -> memref<1x128xi32, #tpu.memory_space<vmem>>
        %dma_start3A_302 = tpu.memref_squeeze %dma_start3A_301 : memref<1x128xi32, #tpu.memory_space<vmem>> -> memref<128xi32, #tpu.memory_space<vmem>>
        %dma_start3A_303 = arith.constant 0 : i32
        %dma_start3A_304 = tpu.memref_slice %arg7[%dma_start3A_303] : memref<10240xf32, #tpu.memory_space<vmem_shared>> -> memref<10240xf32, #tpu.memory_space<vmem_shared>>
        tpu.enqueue_indirect_dma source(%arg5 : memref<128xf32, #tpu.memory_space<vmem>>) target(%dma_start3A_304 : memref<10240xf32, #tpu.memory_space<vmem_shared>>) offsets(%dma_start3A_302 : memref<128xi32, #tpu.memory_space<vmem>>) semaphore(%run_scoped3A : memref<!tpu.dma_semaphore, #tpu.memory_space<semaphore_mem>>) {add = true}
        %dma_wait3A = arith.constant 0 : i32
        %dma_wait3A_305 = tpu.memref_slice %arg4[%scan3A_300, %dma_wait3A] : memref<80x128xi32, #tpu.memory_space<vmem>> -> memref<1x128xi32, #tpu.memory_space<vmem>>
        %dma_wait3A_306 = tpu.memref_squeeze %dma_wait3A_305 : memref<1x128xi32, #tpu.memory_space<vmem>> -> memref<128xi32, #tpu.memory_space<vmem>>
        %dma_wait3A_307 = arith.constant 0 : i32
        %dma_wait3A_308 = tpu.memref_slice %arg7[%dma_wait3A_307] : memref<10240xf32, #tpu.memory_space<vmem_shared>> -> memref<10240xf32, #tpu.memory_space<vmem_shared>>
        tpu.wait_indirect_dma semaphore(%run_scoped3A : memref<!tpu.dma_semaphore, #tpu.memory_space<semaphore_mem>>) src(%arg5 : memref<128xf32, #tpu.memory_space<vmem>>) dst(%dma_wait3A_308 : memref<10240xf32, #tpu.memory_space<vmem_shared>>)
        tpu.yield
      }) : () -> ()
    }
    %scan3A_294 = arith.constant 80 : i32
    %barrier3A_295 = arith.constant 0 : index
    tpu.barrier barrier_id(%barrier3A_295)
    %mul3A_296 = arith.constant 640 : i32
    %mul3A_297 = arith.muli %arg1, %mul3A_296 : i32
    %mul3A_298 = arith.constant 640 : i32
    %mul3A_299 = arith.muli %arg1, %mul3A_298 : i32
    "tpu.region"() ({
      %run_scoped3A = tpu.sem_alloc : memref<!tpu.dma_semaphore, #tpu.memory_space<semaphore_mem>>
      %dma_start3A = tpu.memref_slice %arg3[%arg0, %mul3A_299] : memref<2x10240xf32, #tpu.memory_space<hbm>> -> memref<1x640xf32, #tpu.memory_space<hbm>>
      %dma_start3A_300 = tpu.memref_squeeze %dma_start3A : memref<1x640xf32, #tpu.memory_space<hbm>> -> memref<640xf32, #tpu.memory_space<hbm>>
      %dma_start3A_301 = tpu.memref_slice %arg7[%mul3A_297] : memref<10240xf32, #tpu.memory_space<vmem_shared>> -> memref<640xf32, #tpu.memory_space<vmem_shared>>
      tpu.enqueue_dma source(%dma_start3A_301 : memref<640xf32, #tpu.memory_space<vmem_shared>>) target(%dma_start3A_300 : memref<640xf32, #tpu.memory_space<hbm>>) target_semaphore(%run_scoped3A : memref<!tpu.dma_semaphore, #tpu.memory_space<semaphore_mem>>)
      %dma_wait3A = tpu.memref_slice %arg3[%arg0, %mul3A_299] : memref<2x10240xf32, #tpu.memory_space<hbm>> -> memref<1x640xf32, #tpu.memory_space<hbm>>
      %dma_wait3A_302 = tpu.memref_squeeze %dma_wait3A : memref<1x640xf32, #tpu.memory_space<hbm>> -> memref<640xf32, #tpu.memory_space<hbm>>
      %dma_wait3A_303 = tpu.memref_slice %arg7[%mul3A_297] : memref<10240xf32, #tpu.memory_space<vmem_shared>> -> memref<640xf32, #tpu.memory_space<vmem_shared>>
      tpu.wait_dma2 semaphore(%run_scoped3A : memref<!tpu.dma_semaphore, #tpu.memory_space<semaphore_mem>>) src(%dma_wait3A_303 : memref<640xf32, #tpu.memory_space<vmem_shared>>) dst(%dma_wait3A_302 : memref<640xf32, #tpu.memory_space<hbm>>)
      tpu.yield
    }) : () -> ()
    return
  }
}

module attributes {stable_mosaic.version = 14 : i64} {
  func.func @_mm_body(%arg0: i32, %arg1: memref<2000x128xf32, #tpu.memory_space<vmem>>, %arg2: memref<128x384xf32, #tpu.memory_space<vmem>>, %arg3: memref<8x384xf32, #tpu.memory_space<vmem>>, %arg4: memref<2000x2xf32, #tpu.memory_space<vmem>>, %arg5: memref<2000x128xf32, #tpu.memory_space<vmem>>, %arg6: memref<2x2000x128xf32, #tpu.memory_space<vmem>>, %arg7: memref<2000x128xf32, #tpu.memory_space<vmem>>) attributes {dimension_semantics = [#tpu.dimension_semantics<arbitrary>], iteration_bounds = array<i64: 5>, scalar_prefetch = 0 : i64, scratch_operands = 0 : i64, tpu.core_type = #tpu.core_type<tc>, window_params = [{transform_indices = @transform_0, window_bounds = array<i64: 2000, 128>}, {pipeline_mode = #tpu.pipeline_mode<synchronous>, transform_indices = @transform_1, window_bounds = array<i64: 128, 384>}, {pipeline_mode = #tpu.pipeline_mode<synchronous>, transform_indices = @transform_2, window_bounds = array<i64: 8, 384>}, {transform_indices = @transform_3, window_bounds = array<i64: 2000, 2>}, {transform_indices = @transform_4, window_bounds = array<i64: 2000, 128>}, {transform_indices = @transform_5, window_bounds = array<i64: 2, 2000, 128>}, {transform_indices = @transform_6, window_bounds = array<i64: 2000, 128>}]} {
    %get3A = arith.constant 0 : index
    %get3A_0 = arith.constant 0 : index
    %get3A_1 = vector.load %arg1[%get3A, %get3A_0] : memref<2000x128xf32, #tpu.memory_space<vmem>>, vector<2000x128xf32>
    %get3A_2 = arith.constant 0 : index
    %get3A_3 = arith.constant 0 : index
    %get3A_4 = vector.load %arg2[%get3A_2, %get3A_3] : memref<128x384xf32, #tpu.memory_space<vmem>>, vector<128x384xf32>
    %dot_general3A = arith.constant dense<0.000000e+00> : vector<2000x384xf32>
    %dot_general3A_5 = tpu.matmul %get3A_1, %get3A_4, %dot_general3A {dimension_numbers = #tpu.dot_dimension_numbers<[1], [0], [0], [1], [0, 0, 1, 1], [], []>, transpose_lhs_hint = false} : vector<2000x128xf32>, vector<128x384xf32>, vector<2000x384xf32> -> vector<2000x384xf32>
    %get3A_6 = arith.constant 0 : index
    %get3A_7 = arith.constant 0 : index
    %get3A_8 = vector.load %arg3[%get3A_6, %get3A_7] : memref<8x384xf32, #tpu.memory_space<vmem>>, vector<1x384xf32>
    %add3A = vector.broadcast %get3A_8 : vector<1x384xf32> to vector<2000x384xf32>
    %add3A_9 = arith.addf %dot_general3A_5, %add3A : vector<2000x384xf32>
    %get3A_10 = arith.constant 0 : index
    %get3A_11 = arith.constant 0 : index
    %get3A_12 = vector.load %arg4[%get3A_10, %get3A_11] : memref<2000x2xf32, #tpu.memory_space<vmem>>, vector<2000x2xf32>
    %slice3A = vector.extract_strided_slice %get3A_12 {offsets = [0, 0], sizes = [2000, 1], strides = [1, 1]} : vector<2000x2xf32> to vector<2000x1xf32>
    %slice3A_13 = vector.extract_strided_slice %get3A_12 {offsets = [0, 1], sizes = [2000, 1], strides = [1, 1]} : vector<2000x2xf32> to vector<2000x1xf32>
    %add3A_14 = arith.addf %slice3A, %slice3A_13 : vector<2000x1xf32>
    %gt3A = arith.constant 0.000000e+00 : f32
    %gt3A_15 = vector.broadcast %gt3A : f32 to vector<2000x1xf32>
    %gt3A_16 = arith.cmpf ogt, %add3A_14, %gt3A_15 : vector<2000x1xf32>
    %rsqrt3A = math.rsqrt %add3A_14 : vector<2000x1xf32>
    %jit3A = arith.constant 0.000000e+00 : f32
    %broadcast_in_dim3A = vector.broadcast %jit3A : f32 to vector<2000x1xf32>
    %select_n3A = arith.select %gt3A_16, %rsqrt3A, %broadcast_in_dim3A : vector<2000x1xi1>, vector<2000x1xf32>
    %slice3A_17 = vector.extract_strided_slice %add3A_9 {offsets = [0, 0], sizes = [2000, 128], strides = [1, 1]} : vector<2000x384xf32> to vector<2000x128xf32>
    %slice3A_18 = vector.extract_strided_slice %add3A_9 {offsets = [0, 128], sizes = [2000, 128], strides = [1, 1]} : vector<2000x384xf32> to vector<2000x128xf32>
    %slice3A_19 = vector.extract_strided_slice %add3A_9 {offsets = [0, 256], sizes = [2000, 128], strides = [1, 1]} : vector<2000x384xf32> to vector<2000x128xf32>
    %swap3A = arith.constant 0 : index
    %swap3A_20 = arith.constant 0 : index
    %swap3A_21 = vector.load %arg5[%swap3A, %swap3A_20] : memref<2000x128xf32, #tpu.memory_space<vmem>>, vector<2000x128xf32>
    tpu.vector_store %arg5[%swap3A, %swap3A_20], %slice3A_17 {strides = array<i32>} : memref<2000x128xf32, #tpu.memory_space<vmem>>, vector<2000x128xf32>,
    %mul3A = vector.broadcast %select_n3A : vector<2000x1xf32> to vector<2000x128xf32>
    %mul3A_22 = arith.mulf %mul3A, %slice3A_17 : vector<2000x128xf32>
    %swap3A_23 = arith.constant 0 : index
    %swap3A_24 = arith.constant 0 : index
    %swap3A_25 = arith.constant 0 : index
    %swap3A_26 = vector.load %arg6[%swap3A_23, %swap3A_24, %swap3A_25] : memref<2x2000x128xf32, #tpu.memory_space<vmem>>, vector<1x2000x128xf32>
    %swap3A_27 = vector.shape_cast %swap3A_26 : vector<1x2000x128xf32> to vector<2000x128xf32>
    %swap3A_28 = vector.shape_cast %mul3A_22 : vector<2000x128xf32> to vector<1x2000x128xf32>
    tpu.vector_store %arg6[%swap3A_23, %swap3A_24, %swap3A_25], %swap3A_28 {strides = array<i32>} : memref<2x2000x128xf32, #tpu.memory_space<vmem>>, vector<1x2000x128xf32>,
    %mul3A_29 = vector.broadcast %select_n3A : vector<2000x1xf32> to vector<2000x128xf32>
    %mul3A_30 = arith.mulf %mul3A_29, %slice3A_18 : vector<2000x128xf32>
    %swap3A_31 = arith.constant 1 : index
    %swap3A_32 = arith.constant 0 : index
    %swap3A_33 = arith.constant 0 : index
    %swap3A_34 = vector.load %arg6[%swap3A_31, %swap3A_32, %swap3A_33] : memref<2x2000x128xf32, #tpu.memory_space<vmem>>, vector<1x2000x128xf32>
    %swap3A_35 = vector.shape_cast %swap3A_34 : vector<1x2000x128xf32> to vector<2000x128xf32>
    %swap3A_36 = vector.shape_cast %mul3A_30 : vector<2000x128xf32> to vector<1x2000x128xf32>
    tpu.vector_store %arg6[%swap3A_31, %swap3A_32, %swap3A_33], %swap3A_36 {strides = array<i32>} : memref<2x2000x128xf32, #tpu.memory_space<vmem>>, vector<1x2000x128xf32>,
    %max3A = arith.constant 0.000000e+00 : f32
    %max3A_37 = vector.broadcast %max3A : f32 to vector<2000x128xf32>
    %max3A_38 = arith.maximumf %slice3A_19, %max3A_37 : vector<2000x128xf32>
    %swap3A_39 = arith.constant 0 : index
    %swap3A_40 = arith.constant 0 : index
    %swap3A_41 = vector.load %arg7[%swap3A_39, %swap3A_40] : memref<2000x128xf32, #tpu.memory_space<vmem>>, vector<2000x128xf32>
    tpu.vector_store %arg7[%swap3A_39, %swap3A_40], %max3A_38 {strides = array<i32>} : memref<2000x128xf32, #tpu.memory_space<vmem>>, vector<2000x128xf32>,
    return
  }
  func.func @transform_0(%arg0: i32) -> (i32, i32) {
    %c0_i32 = arith.constant 0 : i32
    %c0_i32_0 = arith.constant 0 : i32
    return %arg0, %c0_i32 : i32, i32
  }
  func.func @transform_1(%arg0: i32) -> (i32, i32) {
    %c0_i32 = arith.constant 0 : i32
    %c0_i32_0 = arith.constant 0 : i32
    %c0_i32_1 = arith.constant 0 : i32
    return %c0_i32, %c0_i32_0 : i32, i32
  }
  func.func @transform_2(%arg0: i32) -> (i32, i32) {
    %c0_i32 = arith.constant 0 : i32
    %c0_i32_0 = arith.constant 0 : i32
    %c0_i32_1 = arith.constant 0 : i32
    return %c0_i32, %c0_i32_0 : i32, i32
  }
  func.func @transform_3(%arg0: i32) -> (i32, i32) {
    %c0_i32 = arith.constant 0 : i32
    %c0_i32_0 = arith.constant 0 : i32
    return %arg0, %c0_i32 : i32, i32
  }
  func.func @transform_4(%arg0: i32) -> (i32, i32) {
    %c0_i32 = arith.constant 0 : i32
    %c0_i32_0 = arith.constant 0 : i32
    return %arg0, %c0_i32 : i32, i32
  }
  func.func @transform_5(%arg0: i32) -> (i32, i32, i32) {
    %c0_i32 = arith.constant 0 : i32
    %c0_i32_0 = arith.constant 0 : i32
    %c0_i32_1 = arith.constant 0 : i32
    return %c0_i32, %arg0, %c0_i32_0 : i32, i32, i32
  }
  func.func @transform_6(%arg0: i32) -> (i32, i32) {
    %c0_i32 = arith.constant 0 : i32
    %c0_i32_0 = arith.constant 0 : i32
    return %arg0, %c0_i32 : i32, i32
  }
}

module attributes {stable_mosaic.version = 14 : i64} {
  func.func @_fin_body(%arg0: i32, %arg1: memref<2000x128xf32, #tpu.memory_space<vmem>>, %arg2: memref<2x2000x128xf32, #tpu.memory_space<vmem>>, %arg3: memref<2000x128xf32, #tpu.memory_space<vmem>>, %arg4: memref<2000x2xf32, #tpu.memory_space<vmem>>, %arg5: memref<8x128xf32, #tpu.memory_space<vmem>>, %arg6: memref<8x128xf32, #tpu.memory_space<vmem>>, %arg7: memref<2x8x128xf32, #tpu.memory_space<vmem>>, %arg8: memref<8x128xf32, #tpu.memory_space<vmem>>, %arg9: memref<8x2xf32, #tpu.memory_space<vmem>>, %arg10: memref<2000x128xf32, #tpu.memory_space<vmem>>) attributes {dimension_semantics = [#tpu.dimension_semantics<arbitrary>], iteration_bounds = array<i64: 5>, scalar_prefetch = 0 : i64, scratch_operands = 0 : i64, tpu.core_type = #tpu.core_type<tc>, window_params = [{transform_indices = @transform_0, window_bounds = array<i64: 2000, 128>}, {transform_indices = @transform_1, window_bounds = array<i64: 2, 2000, 128>}, {transform_indices = @transform_2, window_bounds = array<i64: 2000, 128>}, {transform_indices = @transform_3, window_bounds = array<i64: 2000, 2>}, {pipeline_mode = #tpu.pipeline_mode<synchronous>, transform_indices = @transform_4, window_bounds = array<i64: 8, 128>}, {transform_indices = @transform_5, window_bounds = array<i64: 8, 128>}, {transform_indices = @transform_6, window_bounds = array<i64: 2, 8, 128>}, {transform_indices = @transform_7, window_bounds = array<i64: 8, 128>}, {transform_indices = @transform_8, window_bounds = array<i64: 8, 2>}, {transform_indices = @transform_9, window_bounds = array<i64: 2000, 128>}]} {
    %get3A = arith.constant 0 : index
    %get3A_0 = arith.constant 0 : index
    %get3A_1 = vector.load %arg9[%get3A, %get3A_0] : memref<8x2xf32, #tpu.memory_space<vmem>>, vector<1x1xf32>
    %get3A_2 = vector.extract %get3A_1[0, 0] : f32 from vector<1x1xf32>
    %get3A_3 = arith.constant 0 : index
    %get3A_4 = arith.constant 1 : index
    %get3A_5 = vector.load %arg9[%get3A_3, %get3A_4] : memref<8x2xf32, #tpu.memory_space<vmem>>, vector<1x1xf32>
    %get3A_6 = vector.extract %get3A_5[0, 0] : f32 from vector<1x1xf32>
    %add3A = arith.addf %get3A_2, %get3A_6 : f32
    %gt3A = arith.constant 0.000000e+00 : f32
    %gt3A_7 = arith.cmpf ogt, %add3A, %gt3A : f32
    %rsqrt3A = math.rsqrt %add3A : f32
    %jit3A = arith.constant 0.000000e+00 : f32
    %select_n3A = arith.select %gt3A_7, %rsqrt3A, %jit3A : f32
    %get3A_8 = arith.constant 0 : index
    %get3A_9 = arith.constant 0 : index
    %get3A_10 = arith.constant 0 : index
    %get3A_11 = vector.load %arg7[%get3A_8, %get3A_9, %get3A_10] : memref<2x8x128xf32, #tpu.memory_space<vmem>>, vector<1x1x128xf32>
    %get3A_12 = vector.shape_cast %get3A_11 : vector<1x1x128xf32> to vector<1x128xf32>
    %get3A_13 = arith.constant 1 : index
    %get3A_14 = arith.constant 0 : index
    %get3A_15 = arith.constant 0 : index
    %get3A_16 = vector.load %arg7[%get3A_13, %get3A_14, %get3A_15] : memref<2x8x128xf32, #tpu.memory_space<vmem>>, vector<1x1x128xf32>
    %get3A_17 = vector.shape_cast %get3A_16 : vector<1x1x128xf32> to vector<1x128xf32>
    %get3A_18 = arith.constant 0 : index
    %get3A_19 = arith.constant 0 : index
    %get3A_20 = vector.load %arg6[%get3A_18, %get3A_19] : memref<8x128xf32, #tpu.memory_space<vmem>>, vector<1x128xf32>
    %mul3A = vector.broadcast %select_n3A : f32 to vector<1x128xf32>
    %mul3A_21 = arith.mulf %mul3A, %get3A_12 : vector<1x128xf32>
    %sub3A = arith.subf %get3A_20, %mul3A_21 : vector<1x128xf32>
    %max3A = arith.constant 0.000000e+00 : f32
    %max3A_22 = vector.broadcast %max3A : f32 to vector<1x128xf32>
    %max3A_23 = arith.maximumf %sub3A, %max3A_22 : vector<1x128xf32>
    %mul3A_24 = vector.broadcast %select_n3A : f32 to vector<1x128xf32>
    %mul3A_25 = arith.mulf %mul3A_24, %get3A_17 : vector<1x128xf32>
    %max3A_26 = arith.constant 0.000000e+00 : f32
    %max3A_27 = vector.broadcast %max3A_26 : f32 to vector<1x128xf32>
    %max3A_28 = arith.maximumf %mul3A_25, %max3A_27 : vector<1x128xf32>
    %get3A_29 = arith.constant 0 : index
    %get3A_30 = arith.constant 0 : index
    %get3A_31 = vector.load %arg8[%get3A_29, %get3A_30] : memref<8x128xf32, #tpu.memory_space<vmem>>, vector<1x128xf32>
    %get3A_32 = arith.constant 0 : index
    %get3A_33 = arith.constant 0 : index
    %get3A_34 = vector.load %arg5[%get3A_32, %get3A_33] : memref<8x128xf32, #tpu.memory_space<vmem>>, vector<1x128xf32>
    %mul3A_35 = arith.mulf %max3A_23, %get3A_34 : vector<1x128xf32>
    %reduce_sum3A = vector.shape_cast %mul3A_35 : vector<1x128xf32> to vector<1x1x128xf32>
    %reduce_sum3A_36 = arith.constant dense<0.000000e+00> : vector<1xf32>
    %reduce_sum3A_37 = vector.multi_reduction <add>, %reduce_sum3A, %reduce_sum3A_36 [1, 2] : vector<1x1x128xf32> to vector<1xf32>
    %reduce_sum3A_38 = vector.shape_cast %reduce_sum3A_37 : vector<1xf32> to vector<1x1x1xf32>
    %reduce_sum3A_39 = vector.extract %reduce_sum3A_38[0, 0, 0] : f32 from vector<1x1x1xf32>
    %get3A_40 = arith.constant 3 : index
    %get3A_41 = arith.constant 0 : index
    %get3A_42 = vector.load %arg5[%get3A_40, %get3A_41] : memref<8x128xf32, #tpu.memory_space<vmem>>, vector<1x1xf32>
    %get3A_43 = vector.extract %get3A_42[0, 0] : f32 from vector<1x1xf32>
    %add3A_44 = arith.addf %reduce_sum3A_39, %get3A_43 : f32
    %get3A_45 = arith.constant 1 : index
    %get3A_46 = arith.constant 0 : index
    %get3A_47 = vector.load %arg5[%get3A_45, %get3A_46] : memref<8x128xf32, #tpu.memory_space<vmem>>, vector<1x128xf32>
    %mul3A_48 = arith.mulf %max3A_28, %get3A_47 : vector<1x128xf32>
    %reduce_sum3A_49 = vector.shape_cast %mul3A_48 : vector<1x128xf32> to vector<1x1x128xf32>
    %reduce_sum3A_50 = arith.constant dense<0.000000e+00> : vector<1xf32>
    %reduce_sum3A_51 = vector.multi_reduction <add>, %reduce_sum3A_49, %reduce_sum3A_50 [1, 2] : vector<1x1x128xf32> to vector<1xf32>
    %reduce_sum3A_52 = vector.shape_cast %reduce_sum3A_51 : vector<1xf32> to vector<1x1x1xf32>
    %reduce_sum3A_53 = vector.extract %reduce_sum3A_52[0, 0, 0] : f32 from vector<1x1x1xf32>
    %get3A_54 = arith.constant 3 : index
    %get3A_55 = arith.constant 1 : index
    %get3A_56 = vector.load %arg5[%get3A_54, %get3A_55] : memref<8x128xf32, #tpu.memory_space<vmem>>, vector<1x1xf32>
    %get3A_57 = vector.extract %get3A_56[0, 0] : f32 from vector<1x1xf32>
    %add3A_58 = arith.addf %reduce_sum3A_53, %get3A_57 : f32
    %get3A_59 = arith.constant 2 : index
    %get3A_60 = arith.constant 0 : index
    %get3A_61 = vector.load %arg5[%get3A_59, %get3A_60] : memref<8x128xf32, #tpu.memory_space<vmem>>, vector<1x128xf32>
    %mul3A_62 = arith.mulf %get3A_31, %get3A_61 : vector<1x128xf32>
    %reduce_sum3A_63 = vector.shape_cast %mul3A_62 : vector<1x128xf32> to vector<1x1x128xf32>
    %reduce_sum3A_64 = arith.constant dense<0.000000e+00> : vector<1xf32>
    %reduce_sum3A_65 = vector.multi_reduction <add>, %reduce_sum3A_63, %reduce_sum3A_64 [1, 2] : vector<1x1x128xf32> to vector<1xf32>
    %reduce_sum3A_66 = vector.shape_cast %reduce_sum3A_65 : vector<1xf32> to vector<1x1x1xf32>
    %reduce_sum3A_67 = vector.extract %reduce_sum3A_66[0, 0, 0] : f32 from vector<1x1x1xf32>
    %get3A_68 = arith.constant 3 : index
    %get3A_69 = arith.constant 2 : index
    %get3A_70 = vector.load %arg5[%get3A_68, %get3A_69] : memref<8x128xf32, #tpu.memory_space<vmem>>, vector<1x1xf32>
    %get3A_71 = vector.extract %get3A_70[0, 0] : f32 from vector<1x1xf32>
    %add3A_72 = arith.addf %reduce_sum3A_67, %get3A_71 : f32
    %get3A_73 = arith.constant 0 : index
    %get3A_74 = arith.constant 0 : index
    %get3A_75 = vector.load %arg4[%get3A_73, %get3A_74] : memref<2000x2xf32, #tpu.memory_space<vmem>>, vector<2000x2xf32>
    %slice3A = vector.extract_strided_slice %get3A_75 {offsets = [0, 0], sizes = [2000, 1], strides = [1, 1]} : vector<2000x2xf32> to vector<2000x1xf32>
    %slice3A_76 = vector.extract_strided_slice %get3A_75 {offsets = [0, 1], sizes = [2000, 1], strides = [1, 1]} : vector<2000x2xf32> to vector<2000x1xf32>
    %add3A_77 = arith.addf %slice3A, %slice3A_76 : vector<2000x1xf32>
    %gt3A_78 = arith.constant 0.000000e+00 : f32
    %gt3A_79 = vector.broadcast %gt3A_78 : f32 to vector<2000x1xf32>
    %gt3A_80 = arith.cmpf ogt, %add3A_77, %gt3A_79 : vector<2000x1xf32>
    %rsqrt3A_81 = math.rsqrt %add3A_77 : vector<2000x1xf32>
    %jit3A_82 = arith.constant 0.000000e+00 : f32
    %broadcast_in_dim3A = vector.broadcast %jit3A_82 : f32 to vector<2000x1xf32>
    %select_n3A_83 = arith.select %gt3A_80, %rsqrt3A_81, %broadcast_in_dim3A : vector<2000x1xi1>, vector<2000x1xf32>
    %get3A_84 = arith.constant 0 : index
    %get3A_85 = arith.constant 0 : index
    %get3A_86 = arith.constant 0 : index
    %get3A_87 = vector.load %arg2[%get3A_84, %get3A_85, %get3A_86] : memref<2x2000x128xf32, #tpu.memory_space<vmem>>, vector<1x2000x128xf32>
    %get3A_88 = vector.shape_cast %get3A_87 : vector<1x2000x128xf32> to vector<2000x128xf32>
    %get3A_89 = arith.constant 1 : index
    %get3A_90 = arith.constant 0 : index
    %get3A_91 = arith.constant 0 : index
    %get3A_92 = vector.load %arg2[%get3A_89, %get3A_90, %get3A_91] : memref<2x2000x128xf32, #tpu.memory_space<vmem>>, vector<1x2000x128xf32>
    %get3A_93 = vector.shape_cast %get3A_92 : vector<1x2000x128xf32> to vector<2000x128xf32>
    %get3A_94 = arith.constant 0 : index
    %get3A_95 = arith.constant 0 : index
    %get3A_96 = vector.load %arg1[%get3A_94, %get3A_95] : memref<2000x128xf32, #tpu.memory_space<vmem>>, vector<2000x128xf32>
    %mul3A_97 = vector.broadcast %select_n3A_83 : vector<2000x1xf32> to vector<2000x128xf32>
    %mul3A_98 = arith.mulf %mul3A_97, %get3A_88 : vector<2000x128xf32>
    %sub3A_99 = arith.subf %get3A_96, %mul3A_98 : vector<2000x128xf32>
    %max3A_100 = arith.constant 0.000000e+00 : f32
    %max3A_101 = vector.broadcast %max3A_100 : f32 to vector<2000x128xf32>
    %max3A_102 = arith.maximumf %sub3A_99, %max3A_101 : vector<2000x128xf32>
    %mul3A_103 = vector.broadcast %select_n3A_83 : vector<2000x1xf32> to vector<2000x128xf32>
    %mul3A_104 = arith.mulf %mul3A_103, %get3A_93 : vector<2000x128xf32>
    %max3A_105 = arith.constant 0.000000e+00 : f32
    %max3A_106 = vector.broadcast %max3A_105 : f32 to vector<2000x128xf32>
    %max3A_107 = arith.maximumf %mul3A_104, %max3A_106 : vector<2000x128xf32>
    %mul3A_108 = vector.broadcast %add3A_44 : f32 to vector<2000x128xf32>
    %mul3A_109 = arith.mulf %mul3A_108, %max3A_102 : vector<2000x128xf32>
    %mul3A_110 = vector.broadcast %add3A_58 : f32 to vector<2000x128xf32>
    %mul3A_111 = arith.mulf %mul3A_110, %max3A_107 : vector<2000x128xf32>
    %add3A_112 = arith.addf %mul3A_109, %mul3A_111 : vector<2000x128xf32>
    %get3A_113 = arith.constant 0 : index
    %get3A_114 = arith.constant 0 : index
    %get3A_115 = vector.load %arg3[%get3A_113, %get3A_114] : memref<2000x128xf32, #tpu.memory_space<vmem>>, vector<2000x128xf32>
    %mul3A_116 = vector.broadcast %add3A_72 : f32 to vector<2000x128xf32>
    %mul3A_117 = arith.mulf %mul3A_116, %get3A_115 : vector<2000x128xf32>
    %add3A_118 = arith.addf %add3A_112, %mul3A_117 : vector<2000x128xf32>
    %reduce_max3A = arith.constant dense<0xFF800000> : vector<2000xf32>
    %reduce_max3A_119 = vector.multi_reduction <maximumf>, %add3A_118, %reduce_max3A [1] : vector<2000x128xf32> to vector<2000xf32>
    %broadcast_in_dim3A_120 = vector.shape_cast %reduce_max3A_119 : vector<2000xf32> to vector<2000x1xf32>
    %sub3A_121 = vector.broadcast %broadcast_in_dim3A_120 : vector<2000x1xf32> to vector<2000x128xf32>
    %sub3A_122 = arith.subf %add3A_118, %sub3A_121 : vector<2000x128xf32>
    %exp3A = math.exp %sub3A_122 : vector<2000x128xf32>
    %reduce_sum3A_123 = arith.constant dense<0.000000e+00> : vector<2000xf32>
    %reduce_sum3A_124 = vector.multi_reduction <add>, %exp3A, %reduce_sum3A_123 [1] : vector<2000x128xf32> to vector<2000xf32>
    %broadcast_in_dim3A_125 = vector.shape_cast %reduce_sum3A_124 : vector<2000xf32> to vector<2000x1xf32>
    %log3A = math.log %broadcast_in_dim3A_125 : vector<2000x1xf32>
    %sub3A_126 = vector.broadcast %log3A : vector<2000x1xf32> to vector<2000x128xf32>
    %sub3A_127 = arith.subf %sub3A_122, %sub3A_126 : vector<2000x128xf32>
    %swap3A = arith.constant 0 : index
    %swap3A_128 = arith.constant 0 : index
    %swap3A_129 = vector.load %arg10[%swap3A, %swap3A_128] : memref<2000x128xf32, #tpu.memory_space<vmem>>, vector<2000x128xf32>
    tpu.vector_store %arg10[%swap3A, %swap3A_128], %sub3A_127 {strides = array<i32>} : memref<2000x128xf32, #tpu.memory_space<vmem>>, vector<2000x128xf32>,
    return
  }
  func.func @transform_0(%arg0: i32) -> (i32, i32) {
    %c0_i32 = arith.constant 0 : i32
    %c0_i32_0 = arith.constant 0 : i32
    return %arg0, %c0_i32 : i32, i32
  }
  func.func @transform_1(%arg0: i32) -> (i32, i32, i32) {
    %c0_i32 = arith.constant 0 : i32
    %c0_i32_0 = arith.constant 0 : i32
    %c0_i32_1 = arith.constant 0 : i32
    return %c0_i32, %arg0, %c0_i32_0 : i32, i32, i32
  }
  func.func @transform_2(%arg0: i32) -> (i32, i32) {
    %c0_i32 = arith.constant 0 : i32
    %c0_i32_0 = arith.constant 0 : i32
    return %arg0, %c0_i32 : i32, i32
  }
  func.func @transform_3(%arg0: i32) -> (i32, i32) {
    %c0_i32 = arith.constant 0 : i32
    %c0_i32_0 = arith.constant 0 : i32
    return %arg0, %c0_i32 : i32, i32
  }
  func.func @transform_4(%arg0: i32) -> (i32, i32) {
    %c0_i32 = arith.constant 0 : i32
    %c0_i32_0 = arith.constant 0 : i32
    %c0_i32_1 = arith.constant 0 : i32
    return %c0_i32, %c0_i32_0 : i32, i32
  }
  func.func @transform_5(%arg0: i32) -> (i32, i32) {
    %c0_i32 = arith.constant 0 : i32
    %c0_i32_0 = arith.constant 0 : i32
    %c0_i32_1 = arith.constant 0 : i32
    return %c0_i32, %c0_i32_0 : i32, i32
  }
  func.func @transform_6(%arg0: i32) -> (i32, i32, i32) {
    %c0_i32 = arith.constant 0 : i32
    %c0_i32_0 = arith.constant 0 : i32
    %c0_i32_1 = arith.constant 0 : i32
    %c0_i32_2 = arith.constant 0 : i32
    return %c0_i32, %c0_i32_0, %c0_i32_1 : i32, i32, i32
  }
  func.func @transform_7(%arg0: i32) -> (i32, i32) {
    %c0_i32 = arith.constant 0 : i32
    %c0_i32_0 = arith.constant 0 : i32
    %c0_i32_1 = arith.constant 0 : i32
    return %c0_i32, %c0_i32_0 : i32, i32
  }
  func.func @transform_8(%arg0: i32) -> (i32, i32) {
    %c0_i32 = arith.constant 0 : i32
    %c0_i32_0 = arith.constant 0 : i32
    %c0_i32_1 = arith.constant 0 : i32
    return %c0_i32, %c0_i32_0 : i32, i32
  }
  func.func @transform_9(%arg0: i32) -> (i32, i32) {
    %c0_i32 = arith.constant 0 : i32
    %c0_i32_0 = arith.constant 0 : i32
    return %arg0, %c0_i32 : i32, i32
  }
}

</mosaic_0001>

<sc_bundles>
// kernel: kernel.6.cloned.1.call-start
scs
__scs_entry_jumppad:
0x0: {  	(pc) =	sbr.rel $0x88, $3  }
0x1: {  	(tag) =	ssettag $0x0;
	lr =	simm.s32 $0x1  }
0x2: {  	[smem:$0x3F93] =	sst lr;
	_ =	strace $0xD0000000  }
0x3: {  	_ = 	snop  }
0x4: {  	_ = 	snop  }
0x5: {  	_ = 	snop  }
0x6: {  	_ = 	snop  }
0x7: {  	_ = 	snop  }
__scs_overlays_trampoline_lowered:
0x8: {  	[smem:$0x3FA2] =	sst s0  }
0x9: {  	[smem:$0x3FA3] =	sst s1  }
0xa: {  	[smem:$0x3FA4] =	sst s2  }
0xb: {  	[smem:$0x3FA5] =	sst s3  }
0xc: {  	[smem:$0x3FA6] =	sst s4  }
0xd: {  	[smem:$0x3FA7] =	sst s5  }
0xe: {  	[smem:$0x3FA8] =	sst s6  }
0xf: {  	[smem:$0x3FA9] =	sst s7  }
0x10: {  	[smem:$0x3FAA] =	sst s8  }
0x11: {  	[smem:$0x3FAB] =	sst s9;
	s0 =	simm.s32 @!p0 $0x0  }
0x12: {  	s1 =	sld [smem:$0x3F91];
	s0 =	simm.s32 @p0 $0x1  }
0x13: {  	[smem:$0x3FAC] =	sst s0;
	s0 =	simm.s32 @!p1 $0x0  }
0x14: {  	s2 =	sld [smem:$0x3F90];
	s0 =	simm.s32 @p1 $0x1  }
0x15: {  	[smem:$0x3FAD] =	sst s0;
	s0 =	simm.s32 @!p2 $0x0  }
0x16: {  	s3 =	sld [smem:$0x3FDB];
	s0 =	simm.s32 @p2 $0x1  }
0x17: {  	s4 =	simm.s32 $0x1BF5;
	[smem:$0x3FAF] =	sst s0  }
0x18: {  	s0 =	sld [smem:$0x3F92];
	_ =	swait.ge [sflag:s4], $0x0  }
0x19: {  	s7 =	sld [smem:$0x3F93]  }
0x1a: {  	s8 =	sadd.s32 $0xFFFFE003, lr  }
0x1b: {  	s9 =	sadd.s32 $0xFFFFFEF7, lr;
	s5 =	simm.s32 $0xFFFFFFFF;
	p2 =	slt.u32 s8, $0xFFFFF086  }
0x1c: {  	p1 =	slt.u32 s9, $0xF7A;
	s5 =	simm.s32 @!p2 $0x0  }
0x1d: {  	s5 =	simm.s32 @p1 $0x1;
	p0 =	seq.s32 s7, s2  }
0x1e: {  	s7 =	smul.u32 @!p0 $0xF7A, s2;
	p2 =	seq.s32 @!p0 s5, $0x0  }
0x1f: {  	s9 =	smul.u32 $0xF7A, s1;
	s8 =	simm.s32 @!p0 $0x1BF5;
	p2 =	por !p2, p0  }
0x20: {  	[sflag:s8] =	ssyncset.s32 @!p0 $0xFFFFF086;
	s6 =	sadd.s32 @!p0 s3, s7;
	s7 =	simm.s32 @!p0 $0x108  }
0x21: {  	s3 =	sadd.s32 s3, s9;
	s6 =	sadd.s32 @!p0 $0x88, s6;
	s7 =	simm.s32 @p2 $0x1082  }
0x22: {  	[simem:s7], [sflag:s8] =	dma.local @!p0 [hbm:s6], $0xF7A  }
0x23: {  	s9 =	sor.u32 $0xD0000000, s2;
	s6 =	simm.s32 $0x108;
	_ =	swait.ge @!p0 [sflag:s8], $0x0  }
0x24: {  	s3 =	sadd.s32 $0x88, s3;
	s6 =	simm.s32 @!p1 $0x1082;
	[sflag:s4] =	ssyncset.s32 $0xFFFFF086  }
0x25: {  	[simem:s6], [sflag:s4] =	dma.local [hbm:s3], $0xF7A  }
0x26: {  	[smem:$0x3F93] =	sst s1;
	(tag) =	ssettag s2;
	_ =	strace s9  }
0x27: {  	s1 =	sld [smem:$0x3FA3]  }
0x28: {  	s2 =	sld [smem:$0x3FA4]  }
0x29: {  	s4 =	sld [smem:$0x3FA6]  }
0x2a: {  	p0 =	seq.s32 s5, $0x0;
	s5 =	sld [smem:$0x3FA7]  }
0x2b: {  	s6 =	sld [smem:$0x3FA8]  }
0x2c: {  	s7 =	sld [smem:$0x3FA9]  }
0x2d: {  	s3 =	simm.s32 $0x108;
	s8 =	sld [smem:$0x3FAA]  }
0x2e: {  	s3 =	simm.s32 @!p0 $0x1082;
	s9 =	sld [smem:$0x3FAB]  }
0x2f: {  	lr =	sadd.s32 s0, s3;
	s0 =	sld [smem:$0x3FA2]  }
0x30: {  	s3 =	sld [smem:$0x3FA5]  }
0x31: {  	[smem:$0x3FAE] =	sst s10  }
0x32: {  	s10 =	sld [smem:$0x3FAC];
	_ =	sdelay $0x3  }
0x33: {  	p0 =	seq.s32 s10, $0x1;
	s10 =	sld [smem:$0x3FAE];
	_ =	sdelay $0x3  }
0x34: {  	[smem:$0x3FAE] =	sst s10  }
0x35: {  	s10 =	sld [smem:$0x3FAD];
	_ =	sdelay $0x3  }
0x36: {  	p1 =	seq.s32 s10, $0x1;
	s10 =	sld [smem:$0x3FAE];
	_ =	sdelay $0x3  }
0x37: {  	[smem:$0x3FAE] =	sst s10  }
0x38: {  	s10 =	sld [smem:$0x3FAF]  }
0x39: {  	_ = 	snop;
	(pc) =	sbr.ind lr, $3  }
0x3a: {  	_ = 	snop  }
0x3b: {  	_ = 	snop  }
0x3c: {  	p2 =	seq.s32 s10, $0x1;
	s10 =	sld [smem:$0x3FAE]  }
0x3d: {  	_ =	shalt  }
0x3e: {  	_ =	shalt  }
0x3f: {  	_ =	shalt  }
0x40: {  	_ =	shalt  }
0x41: {  	_ =	shalt  }
0x42: {  	_ =	shalt  }
0x43: {  	_ =	shalt  }
0x44: {  	_ =	shalt  }
0x45: {  	_ =	shalt  }
0x46: {  	_ =	shalt  }
0x47: {  	_ =	shalt  }
0x48: {  	_ =	shalt  }
0x49: {  	_ =	shalt  }
0x4a: {  	_ =	shalt  }
0x4b: {  	_ =	shalt  }
0x4c: {  	_ =	shalt  }
0x4d: {  	_ =	shalt  }
0x4e: {  	_ =	shalt  }
0x4f: {  	_ =	shalt  }
0x50: {  	_ =	shalt  }
0x51: {  	_ =	shalt  }
0x52: {  	_ =	shalt  }
0x53: {  	_ =	shalt  }
0x54: {  	_ =	shalt  }
0x55: {  	_ =	shalt  }
0x56: {  	_ =	shalt  }
0x57: {  	_ =	shalt  }
0x58: {  	_ =	shalt  }
0x59: {  	_ =	shalt  }
0x5a: {  	_ =	shalt  }
0x5b: {  	_ =	shalt  }
0x5c: {  	_ =	shalt  }
0x5d: {  	_ =	shalt  }
0x5e: {  	_ =	shalt  }
0x5f: {  	_ =	shalt  }
0x60: {  	_ =	shalt  }
0x61: {  	_ =	shalt  }
0x62: {  	_ =	shalt  }
0x63: {  	_ =	shalt  }
0x64: {  	_ =	shalt  }
0x65: {  	_ =	shalt  }
0x66: {  	_ =	shalt  }
0x67: {  	_ =	shalt  }
0x68: {  	_ =	shalt  }
0x69: {  	_ =	shalt  }
0x6a: {  	_ =	shalt  }
0x6b: {  	_ =	shalt  }
0x6c: {  	_ =	shalt  }
0x6d: {  	_ =	shalt  }
0x6e: {  	_ =	shalt  }
0x6f: {  	_ =	shalt  }
0x70: {  	_ =	shalt  }
0x71: {  	_ =	shalt  }
0x72: {  	_ =	shalt  }
0x73: {  	_ =	shalt  }
0x74: {  	_ =	shalt  }
0x75: {  	_ =	shalt  }
0x76: {  	_ =	shalt  }
0x77: {  	_ =	shalt  }
0x78: {  	_ =	shalt  }
0x79: {  	_ =	shalt  }
0x7a: {  	_ =	shalt  }
0x7b: {  	_ =	shalt  }
0x7c: {  	_ =	shalt  }
0x7d: {  	_ =	shalt  }
0x7e: {  	_ =	shalt  }
0x7f: {  	_ =	shalt  }
0x80: {  	_ =	shalt  }
0x81: {  	_ =	shalt  }
0x82: {  	_ =	shalt  }
0x83: {  	_ =	shalt  }
0x84: {  	_ =	shalt  }
0x85: {  	_ =	shalt  }
0x86: {  	_ =	shalt  }
0x87: {  	_ =	shalt  }
.Lfunc_end0:
.L_simem_size_0:
called_computation_lowered:
.L_overlay_start_0:
0x88: {  	s2 =	sld [smem:$0x3FD9]  }
0x89: {  	s3 =	sld [smem:$0x3FFE];
	_ =	sdelay $0x1  }
0x8a: {  	s1 =	srdreg.scid  }
0x8b: {  	s0 =	sand.u32 $0x1, s1  }
0x8c: {  	s16 =	sshll.u32 s0, $0xA;
	s2 =	sadd.s32 s3, s2  }
0x8d: {  	s2 =	sadd.s32 s2, s16  }
0x8e: {  	[smem:$0x3FBA] =	sst s2  }
0x8f: {  	_ = 	snop  }
0x90: {  	(tm) =	ssettm $0x1  }
0x91: {  	s17 =	sld [smem:$0x3FFB];
	_ =	sdelay $0x3  }
0x92: {  	_ =	strace s17  }
0x93: {  	s2 =	sld [smem:$0x3FFC];
	_ =	sdelay $0x3  }
0x94: {  	_ =	strace s2  }
0x95: {  	s2 =	sld [smem:$0x3FFD];
	_ =	sdelay $0x3  }
0x96: {  	_ =	strace s2  }
0x97: {  	_ =	strace $0x8FFFFFFF  }
0x98: {  	s18 =	sld [smem:$0x3FDB];
	_ =	sdelay $0x1  }
0x99: {  	s19 =	simm.s32 $_scs_section_size  }
0x9a: {  	s4 =	simm.s32 $_size__tile_overlayer_lowered;
	s5 =	simm.s32 $_tile_overlayer_lowered  }
0x9b: {  	s22 =	simm.s32 $0x1BFF;
	s21 =	sshll.u32 s5, $0x1;
	s2 =	sadd.s32 s19, s18  }
0x9c: {  	s6 =	simm.s32 $0x0;
	s20 =	sshll.u32 s4, $0x1;
	s4 =	sadd.s32 s21, s2  }
0x9d: {  	[timem:s6], [sflag:s22] =	dma.local [hbm:s4], s20  }
0x9e: {  	_ =	swait.ge [sflag:s22], s20  }
0x9f: {  	s3 =	ssub.s32 $0x0, s20;
	[sflag:s22] =	ssyncset.done $0x0  }
0xa0: {  	[sflag:s22] =	ssyncadd.s32 s3;
	_ =	sdelay $0x1  }
0xa1: {  	s23 =	simm.s32 $0x1B8B  }
0xa2: {  	_ =	swait.ge [sflag:s23], $0x1  }
0xa3: {  	[sflag:s23] =	ssyncset.done $0x0  }
0xa4: {  	s25 =	simm.s32 $0x1B8E;
	s24 =	sld [smem:$0x3FFE];
	[sflag:s23] =	ssyncadd.s32 $0xFFFFFFFF  }
0xa5: {  	s26 =	simm.s32 $execute0_lowered;
	[smem:$0x3FD2] =	sst s25  }
0xa6: {  	s4 =	sshll.u32 s26, $0x1;
	_ =	strace $0x80000046;
	[dreg:$0x1] =	wrdreg $0xFFFFFFFF  }
0xa7: {  	s28 =	simm.s32 $_size_execute0_lowered;
	s2 =	sadd.s32 s2, s4;
	[dreg:$0x0] =	wrdreg $0x0  }
0xa8: {  	s4 =	sshll.u32 s28, $0x1;
	[dreg:$0x2] =	wrdreg s2  }
0xa9: {  	[dreg:$0x3] =	wrdreg s4  }
0xaa: {  	[dreg:$0x4] =	wrdreg $0xC0  }
0xab: {  	_ =	task [dreg:s6], $0x5FFFF  }
0xac: {  	[dreg:$0x1] =	wrdreg $0xFFFFFFFF  }
0xad: {  	[dreg:$0x0] =	wrdreg $0x60  }
0xae: {  	[dreg:$0x2] =	wrdreg s24  }
0xaf: {  	[dreg:$0x3] =	wrdreg $0x2B000  }
0xb0: {  	[dreg:$0x4] =	wrdreg $0x9  }
0xb1: {  	_ =	task.clear_ibuf [dreg:s6], $0x5FFFF;
	_ =	strace $0x90000046  }
0xb2: {  	s29 =	simm.s32 $0x9;
	_ =	strace $0x80000048  }
0xb3: {  	_ =	swait.ge [sflag:s29], $0x1  }
0xb4: {  	[sflag:s29] =	ssyncadd.s32 $0xFFFFFFFF  }
0xb5: {  	_ =	strace $0x90000048  }
0xb6: {  	_ =	sfence  }
0xb7: {  	s30 =	sld [smem:$0x0];
	_ =	sdelay $0x2  }
0xb8: {  	s31 =	sshll.u32 s1, $0xD;
	s1 =	sshrl.u32 s1, $0x2  }
0xb9: {  	s3 =	sand.u32 $0x4000, s31;
	s1 =	sadd.s32 s1, s30  }
0xba: {  	s0 =	sor.u32 s3, s0;
	s1 =	sshll.u32 s1, $0x11  }
0xbb: {  	s0 =	sor.u32 s1, s0  }
0xbc: {  	s0 =	sadd.s32 $0x8F2B, s0  }
0xbd: {  	[sflag:s0] =	ssyncadd.remote.s32 $0x1  }
0xbe: {  	_ =	sfence.sel $0xFFFF  }
0xbf: {  	[dreg:$0x0] =	wrdreg $0xFFFFFFFF;
	(pc) =	sbr.abs _section_cstart, $3  }
0xc0: {  	[dreg:$0x1] =	wrdreg $0xFFFFFFFF  }
0xc1: {  	_ =	task.clear_ibuf [dreg:s6], $0x2FFFF;
	_ =	strace $0x9FFFFFFF  }
0xc2: {  	(tm) =	ssettm $0x7FFFFFFF  }
0xc3: {  	_ =	shalt  }
tec
execute0_lowered:
.L_overlay_start_1:
0x0: {  	(tag) =	ssettag $0x1  }
0x1: {  	s4 =	rddreg [dreg:$0x0];
	s0 =	srdreg.scid  }
0x2: {  	s2 =	rddreg [dreg:$0x1];
	s1 =	stileid.u32  }
0x3: {  	s3 =	simm.s32 $0x0;
	s10 =	simm.s32 $0x80;
	s11 =	simm.s32 $0x2800  }
0x4: {  	s14 =	simm.s32 $0x20;
	s15 =	simm.s32 $0x10;
	s16 =	simm.s32 $0x0  }
0x5: {  	s5 =	sand.u32 $0x1, s0;
	s0 =	rddreg [dreg:$0x2];
	s7 =	smul.u32 $0x500, s1  }
0x6: {  	[smem:$0x7FF] =	sst s3;
	s30 =	smul.u32 $0xA00, s1;
	s12 =	sshll.u32 s1, $0x6  }
0x7: {  	s6 =	sshll.u32 s5, $0x4;
	s8 =	sshll.u32 s5, $0x7;
	_ =	strace $0x80000047  }
0x8: {  	s5 =	ssub.s32 $0x2, s5;
	s12 =	sor.u32 $0x1C01, s12;
	s6 =	sor.u32 s1, s6  }
0x9: {  	s7 =	sor.u32 s8, s7;
	s31 =	sshrl.u32 s5, $0x1;
	s6 =	smul.u32 $0x500, s6  }
0xa: {  	s8 =	sshrl.u32 s30, $0x2;
	s7 =	sshrl.u32 s7, $0x3;
	s9 =	ssub.s32 s5, s31  }
0xb: {  	s7 =	sadd.s32 s7, s4;
	s6 =	sadd.s32 s6, s4;
	s4 =	sadd.s32 s8, s2  }
0xc: {  	s8 =	simm.s32 $0x2880;
	s5 =	sadd.s32 $0x1E00, s6;
	s6 =	sadd.s32 $0xBE00, s7  }
0xd: {  	v0 =	vimm.f32 $1.000000000e+00;
	v1 =	vimm.f32 $0.0e+00;
	s7 =	smax.u32 s9, $0x1;
	s9 =	simm.s32 $0x1;
	s13 =	sshrl.u32 s4, $0x3  }
.LBB2_1:
0xe: {  	[tilespmem:$0x2800] =	vst v0  }
0xf: {  	[tilespmem:$0x2810] =	vst v0  }
0x10: {  	[tilespmem:$0x2820] =	vst v0  }
0x11: {  	[tilespmem:$0x2830] =	vst v0  }
0x12: {  	[tilespmem:$0x2840] =	vst v0  }
0x13: {  	[tilespmem:$0x2850] =	vst v0  }
0x14: {  	[tilespmem:$0x2860] =	vst v0  }
0x15: {  	[tilespmem:$0x2870] =	vst v0  }
0x16: {  	[tilespmem:$0x2880] =	vst v1  }
0x17: {  	[tilespmem:$0x2890] =	vst v1  }
0x18: {  	[tilespmem:$0x28A0] =	vst v1  }
0x19: {  	[tilespmem:$0x28B0] =	vst v1  }
0x1a: {  	[tilespmem:$0x28C0] =	vst v1  }
0x1b: {  	[tilespmem:$0x28D0] =	vst v1  }
0x1c: {  	[tilespmem:$0x28E0] =	vst v1  }
0x1d: {  	[tilespmem:$0x28F0] =	vst v1  }
0x1e: {  	[tilespmem:$0x2900] =	vst v1  }
0x1f: {  	[tilespmem:$0x2910] =	vst v1  }
0x20: {  	[tilespmem:$0x2920] =	vst v1  }
0x21: {  	[tilespmem:$0x2930] =	vst v1  }
0x22: {  	[tilespmem:$0x2940] =	vst v1  }
0x23: {  	[tilespmem:$0x2950] =	vst v1  }
0x24: {  	[tilespmem:$0x2960] =	vst v1  }
0x25: {  	[tilespmem:$0x2970] =	vst v1  }
0x26: {  	[tilespmem:$0x2980] =	vst v1  }
0x27: {  	[tilespmem:$0x2990] =	vst v1  }
0x28: {  	[tilespmem:$0x29A0] =	vst v1  }
0x29: {  	[tilespmem:$0x29B0] =	vst v1  }
0x2a: {  	[tilespmem:$0x29C0] =	vst v1  }
0x2b: {  	[tilespmem:$0x29D0] =	vst v1  }
0x2c: {  	[tilespmem:$0x29E0] =	vst v1  }
0x2d: {  	[tilespmem:$0x29F0] =	vst v1  }
0x2e: {  	[tilespmem:$0x2A00] =	vst v1  }
0x2f: {  	[tilespmem:$0x2A10] =	vst v1  }
0x30: {  	[tilespmem:$0x2A20] =	vst v1  }
0x31: {  	[tilespmem:$0x2A30] =	vst v1  }
0x32: {  	[tilespmem:$0x2A40] =	vst v1  }
0x33: {  	[tilespmem:$0x2A50] =	vst v1  }
0x34: {  	[tilespmem:$0x2A60] =	vst v1  }
0x35: {  	[tilespmem:$0x2A70] =	vst v1  }
0x36: {  	[tilespmem:$0x2A80] =	vst v1  }
0x37: {  	[tilespmem:$0x2A90] =	vst v1  }
0x38: {  	[tilespmem:$0x2AA0] =	vst v1  }
0x39: {  	[tilespmem:$0x2AB0] =	vst v1  }
0x3a: {  	[tilespmem:$0x2AC0] =	vst v1  }
0x3b: {  	[tilespmem:$0x2AD0] =	vst v1  }
0x3c: {  	[tilespmem:$0x2AE0] =	vst v1  }
0x3d: {  	[tilespmem:$0x2AF0] =	vst v1  }
0x3e: {  	[spmem:s4] =	stream.linear.scatter [tilespmem:s8], [sflag:$0x1], $0x280, $0x38;
	[tilespmem:$0x2D80] =	vst v63  }
0x3f: {  	_ =	swait.ge [sflag:s9], $0x280  }
0x40: {  	[sflag:s9] =	ssyncset.done $0x0  }
0x41: {  	[sflag:s9] =	ssyncadd.s32 $0xFFFFFD80  }
0x42: {  	[tilespmem:s3], [sflag:$0x1] =	stream.linear.gather [hbm4b:s5+s3], $0x2800, $0x38;
	[tilespmem:$0x2D80] =	vst v63  }
0x43: {  	_ =	swait.ge [sflag:s9], $0x2800  }
0x44: {  	[sflag:s9] =	ssyncset.done $0x0  }
0x45: {  	[sflag:s9] =	ssyncadd.s32 $0xFFFFD800  }
0x46: {  	s17 =	simm.s32 $0x0;
	[bflag:$0x0] =	sbarrier.arrive $0xFFFF  }
0x47: {  	[spmem:s2] =	stream.indirect.scatter.add.f32 [tilespmem:s11], [sflag:$0x1], $0x1, s17, s10, $0xb8;
	[tilespmem:$0x2D80] =	vst v63  }
0x48: {  	_ =	swait.ge [sflag:s9], $0x80  }
0x49: {  	s17 =	simm.s32 $0x200;
	[sflag:s9] =	ssyncset.done $0x0  }
.LBB2_2:
0x4a: {  	s18 =	sshra.s32 s17, $0x2;
	[sflag:s9] =	ssyncadd.s32 $0xFFFFFF80;
	p0 =	sne.s32 s17, $0x9E00  }
0x4b: {  	[spmem:s2] =	stream.indirect.scatter.add.f32 [tilespmem:s11], [sflag:$0x1], $0x1, s18, s10, $0xb8;
	[tilespmem:$0x2D80] =	vst v63  }
.Ltmp0:
0x4c: {  	_ = 	snop;
	(pc) =	sbr.rel @p0 .LBB2_2-.Ltmp0, $4  }
0x4d: {  	_ = 	snop  }
0x4e: {  	s17 =	sadd.s32 $0x200, s17  }
0x4f: {  	_ =	swait.ge [sflag:s9], $0x80  }
0x50: {  	[sflag:s9] =	ssyncset.done $0x0  }
0x51: {  	s16 =	sadd.s32 $0x1, s16  }
0x52: {  	[sflag:s9] =	ssyncadd.s32 $0xFFFFFF80;
	p0 =	sne.s32 s16, s7  }
.Ltmp1:
0x53: {  	[bflag:$0x0] =	sbarrier.arrive $0xFFFF;
	(pc) =	sbr.rel @p0 .LBB2_1-.Ltmp1, $4  }
0x54: {  	[hbm:s6@s14], [sflag:s12] =	dma.strided [spmem:s13@s15], $0x50, s9, $0x10   }
0x55: {  	_ =	swait.ge [sflag:s9], $0x50  }
0x56: {  	[sflag:s9] =	ssyncset.done $0x0  }
0x57: {  	[sflag:s9] =	ssyncadd.s32 $0xFFFFFFB0  }
0x58: {  	_ =	sfence.sel $0x180000  }
0x59: {  	[bflag:$0x0] =	sbarrier.arrive $0xFFFF  }
0x5a: {  	p0 =	sne.s32 s1, $0x0;
	_ =	strace $0x90000047  }
0x5b: {  	s0 =	sadd.s32 @!p0 $0x100000, s0;
	[bflag:$0x2] =	sbarrier.arrive $0xFFFF  }
0x5c: {  	[sflag:s0] =	ssyncadd.tile.s32 @!p0 $0x1;
	_ =	shalt  }
.Lfunc_end2:
_tile_overlayer_lowered:
.L_overlay_start_2:
0x5d: {  	(tag) =	ssettag $0x2  }
0x5e: {  	s0 =	rddreg [dreg:$0x0];
	s2 =	stileid.u32  }
0x5f: {  	s1 =	rddreg [dreg:$0x1];
	p0 =	sne.s32 s2, $0x0  }
0x60: {  	s3 =	rddreg [dreg:$0x2];
	[bflag:$0x3] =	sbarrier.arrive $0xFFFF;
	s2 =	simm.s32 @!p0 $0x1C01  }
0x61: {  	[timem:s3], [sflag:s2] =	dma.local @!p0 [hbm:s0], s1  }
0x62: {  	s0 =	simm.s32 @!p0 $0x1  }
0x63: {  	_ =	swait.ge @!p0 [sflag:s0], s1  }
0x64: {  	s1 =	ssub.s32 @!p0 $0x0, s1;
	[sflag:s0] =	ssyncset.done @!p0 $0x0  }
0x65: {  	[sflag:s0] =	ssyncadd.s32 @!p0 s1  }
0x66: {  	[bflag:$0x3] =	sbarrier.arrive $0xFFFF  }
0x67: {  	_ =	shalt  }

// kernel: kernel.9.cloned.1.call-start
scs
__scs_entry_jumppad:
0x0: {  	(pc) =	sbr.rel $0x88, $3  }
0x1: {  	(tag) =	ssettag $0x0;
	lr =	simm.s32 $0x1  }
0x2: {  	[smem:$0x3F93] =	sst lr;
	_ =	strace $0xD0000000  }
0x3: {  	_ = 	snop  }
0x4: {  	_ = 	snop  }
0x5: {  	_ = 	snop  }
0x6: {  	_ = 	snop  }
0x7: {  	_ = 	snop  }
__scs_overlays_trampoline_lowered:
0x8: {  	[smem:$0x3FA2] =	sst s0  }
0x9: {  	[smem:$0x3FA3] =	sst s1  }
0xa: {  	[smem:$0x3FA4] =	sst s2  }
0xb: {  	[smem:$0x3FA5] =	sst s3  }
0xc: {  	[smem:$0x3FA6] =	sst s4  }
0xd: {  	[smem:$0x3FA7] =	sst s5  }
0xe: {  	[smem:$0x3FA8] =	sst s6  }
0xf: {  	[smem:$0x3FA9] =	sst s7  }
0x10: {  	[smem:$0x3FAA] =	sst s8  }
0x11: {  	[smem:$0x3FAB] =	sst s9;
	s0 =	simm.s32 @!p0 $0x0  }
0x12: {  	s1 =	sld [smem:$0x3F91];
	s0 =	simm.s32 @p0 $0x1  }
0x13: {  	[smem:$0x3FAC] =	sst s0;
	s0 =	simm.s32 @!p1 $0x0  }
0x14: {  	s2 =	sld [smem:$0x3F90];
	s0 =	simm.s32 @p1 $0x1  }
0x15: {  	[smem:$0x3FAD] =	sst s0;
	s0 =	simm.s32 @!p2 $0x0  }
0x16: {  	s3 =	sld [smem:$0x3FDB];
	s0 =	simm.s32 @p2 $0x1  }
0x17: {  	s4 =	simm.s32 $0x1BF5;
	[smem:$0x3FAF] =	sst s0  }
0x18: {  	s0 =	sld [smem:$0x3F92];
	_ =	swait.ge [sflag:s4], $0x0  }
0x19: {  	s7 =	sld [smem:$0x3F93]  }
0x1a: {  	s8 =	sadd.s32 $0xFFFFE003, lr  }
0x1b: {  	s9 =	sadd.s32 $0xFFFFFEF7, lr;
	s5 =	simm.s32 $0xFFFFFFFF;
	p2 =	slt.u32 s8, $0xFFFFF086  }
0x1c: {  	p1 =	slt.u32 s9, $0xF7A;
	s5 =	simm.s32 @!p2 $0x0  }
0x1d: {  	s5 =	simm.s32 @p1 $0x1;
	p0 =	seq.s32 s7, s2  }
0x1e: {  	s7 =	smul.u32 @!p0 $0xF7A, s2;
	p2 =	seq.s32 @!p0 s5, $0x0  }
0x1f: {  	s9 =	smul.u32 $0xF7A, s1;
	s8 =	simm.s32 @!p0 $0x1BF5;
	p2 =	por !p2, p0  }
0x20: {  	[sflag:s8] =	ssyncset.s32 @!p0 $0xFFFFF086;
	s6 =	sadd.s32 @!p0 s3, s7;
	s7 =	simm.s32 @!p0 $0x108  }
0x21: {  	s3 =	sadd.s32 s3, s9;
	s6 =	sadd.s32 @!p0 $0x88, s6;
	s7 =	simm.s32 @p2 $0x1082  }
0x22: {  	[simem:s7], [sflag:s8] =	dma.local @!p0 [hbm:s6], $0xF7A  }
0x23: {  	s9 =	sor.u32 $0xD0000000, s2;
	s6 =	simm.s32 $0x108;
	_ =	swait.ge @!p0 [sflag:s8], $0x0  }
0x24: {  	s3 =	sadd.s32 $0x88, s3;
	s6 =	simm.s32 @!p1 $0x1082;
	[sflag:s4] =	ssyncset.s32 $0xFFFFF086  }
0x25: {  	[simem:s6], [sflag:s4] =	dma.local [hbm:s3], $0xF7A  }
0x26: {  	[smem:$0x3F93] =	sst s1;
	(tag) =	ssettag s2;
	_ =	strace s9  }
0x27: {  	s1 =	sld [smem:$0x3FA3]  }
0x28: {  	s2 =	sld [smem:$0x3FA4]  }
0x29: {  	s4 =	sld [smem:$0x3FA6]  }
0x2a: {  	p0 =	seq.s32 s5, $0x0;
	s5 =	sld [smem:$0x3FA7]  }
0x2b: {  	s6 =	sld [smem:$0x3FA8]  }
0x2c: {  	s7 =	sld [smem:$0x3FA9]  }
0x2d: {  	s3 =	simm.s32 $0x108;
	s8 =	sld [smem:$0x3FAA]  }
0x2e: {  	s3 =	simm.s32 @!p0 $0x1082;
	s9 =	sld [smem:$0x3FAB]  }
0x2f: {  	lr =	sadd.s32 s0, s3;
	s0 =	sld [smem:$0x3FA2]  }
0x30: {  	s3 =	sld [smem:$0x3FA5]  }
0x31: {  	[smem:$0x3FAE] =	sst s10  }
0x32: {  	s10 =	sld [smem:$0x3FAC];
	_ =	sdelay $0x3  }
0x33: {  	p0 =	seq.s32 s10, $0x1;
	s10 =	sld [smem:$0x3FAE];
	_ =	sdelay $0x3  }
0x34: {  	[smem:$0x3FAE] =	sst s10  }
0x35: {  	s10 =	sld [smem:$0x3FAD];
	_ =	sdelay $0x3  }
0x36: {  	p1 =	seq.s32 s10, $0x1;
	s10 =	sld [smem:$0x3FAE];
	_ =	sdelay $0x3  }
0x37: {  	[smem:$0x3FAE] =	sst s10  }
0x38: {  	s10 =	sld [smem:$0x3FAF]  }
0x39: {  	_ = 	snop;
	(pc) =	sbr.ind lr, $3  }
0x3a: {  	_ = 	snop  }
0x3b: {  	_ = 	snop  }
0x3c: {  	p2 =	seq.s32 s10, $0x1;
	s10 =	sld [smem:$0x3FAE]  }
0x3d: {  	_ =	shalt  }
0x3e: {  	_ =	shalt  }
0x3f: {  	_ =	shalt  }
0x40: {  	_ =	shalt  }
0x41: {  	_ =	shalt  }
0x42: {  	_ =	shalt  }
0x43: {  	_ =	shalt  }
0x44: {  	_ =	shalt  }
0x45: {  	_ =	shalt  }
0x46: {  	_ =	shalt  }
0x47: {  	_ =	shalt  }
0x48: {  	_ =	shalt  }
0x49: {  	_ =	shalt  }
0x4a: {  	_ =	shalt  }
0x4b: {  	_ =	shalt  }
0x4c: {  	_ =	shalt  }
0x4d: {  	_ =	shalt  }
0x4e: {  	_ =	shalt  }
0x4f: {  	_ =	shalt  }
0x50: {  	_ =	shalt  }
0x51: {  	_ =	shalt  }
0x52: {  	_ =	shalt  }
0x53: {  	_ =	shalt  }
0x54: {  	_ =	shalt  }
0x55: {  	_ =	shalt  }
0x56: {  	_ =	shalt  }
0x57: {  	_ =	shalt  }
0x58: {  	_ =	shalt  }
0x59: {  	_ =	shalt  }
0x5a: {  	_ =	shalt  }
0x5b: {  	_ =	shalt  }
0x5c: {  	_ =	shalt  }
0x5d: {  	_ =	shalt  }
0x5e: {  	_ =	shalt  }
0x5f: {  	_ =	shalt  }
0x60: {  	_ =	shalt  }
0x61: {  	_ =	shalt  }
0x62: {  	_ =	shalt  }
0x63: {  	_ =	shalt  }
0x64: {  	_ =	shalt  }
0x65: {  	_ =	shalt  }
0x66: {  	_ =	shalt  }
0x67: {  	_ =	shalt  }
0x68: {  	_ =	shalt  }
0x69: {  	_ =	shalt  }
0x6a: {  	_ =	shalt  }
0x6b: {  	_ =	shalt  }
0x6c: {  	_ =	shalt  }
0x6d: {  	_ =	shalt  }
0x6e: {  	_ =	shalt  }
0x6f: {  	_ =	shalt  }
0x70: {  	_ =	shalt  }
0x71: {  	_ =	shalt  }
0x72: {  	_ =	shalt  }
0x73: {  	_ =	shalt  }
0x74: {  	_ =	shalt  }
0x75: {  	_ =	shalt  }
0x76: {  	_ =	shalt  }
0x77: {  	_ =	shalt  }
0x78: {  	_ =	shalt  }
0x79: {  	_ =	shalt  }
0x7a: {  	_ =	shalt  }
0x7b: {  	_ =	shalt  }
0x7c: {  	_ =	shalt  }
0x7d: {  	_ =	shalt  }
0x7e: {  	_ =	shalt  }
0x7f: {  	_ =	shalt  }
0x80: {  	_ =	shalt  }
0x81: {  	_ =	shalt  }
0x82: {  	_ =	shalt  }
0x83: {  	_ =	shalt  }
0x84: {  	_ =	shalt  }
0x85: {  	_ =	shalt  }
0x86: {  	_ =	shalt  }
0x87: {  	_ =	shalt  }
.Lfunc_end0:
.L_simem_size_0:
called_computation.1_lowered:
.L_overlay_start_0:
0x88: {  	s2 =	sld [smem:$0x3FD9]  }
0x89: {  	s3 =	sld [smem:$0x3FFE];
	_ =	sdelay $0x1  }
0x8a: {  	s1 =	srdreg.scid  }
0x8b: {  	s0 =	sand.u32 $0x1, s1  }
0x8c: {  	s17 =	sshll.u32 s0, $0xA;
	s2 =	sadd.s32 s3, s2  }
0x8d: {  	s2 =	sadd.s32 s2, s17  }
0x8e: {  	[smem:$0x3FBA] =	sst s2  }
0x8f: {  	_ = 	snop  }
0x90: {  	s2 =	sld [smem:$0x3FD0];
	(tm) =	ssettm $0x1  }
0x91: {  	s18 =	sld [smem:$0x3FFB];
	_ =	sdelay $0x3  }
0x92: {  	_ =	strace s18  }
0x93: {  	s3 =	sld [smem:$0x3FFC];
	_ =	sdelay $0x3  }
0x94: {  	_ =	strace s3  }
0x95: {  	s3 =	sld [smem:$0x3FFD];
	_ =	sdelay $0x3  }
0x96: {  	_ =	strace s3  }
0x97: {  	_ =	strace $0x8FFFFFFF  }
0x98: {  	s19 =	sld [smem:$0x3FDB];
	_ =	sdelay $0x1  }
0x99: {  	s4 =	simm.s32 $_scs_section_size  }
0x9a: {  	s5 =	simm.s32 $_size__tile_overlayer_lowered;
	s6 =	simm.s32 $_tile_overlayer_lowered  }
0x9b: {  	s22 =	simm.s32 $0x1BFF;
	s21 =	sshll.u32 s6, $0x1;
	s3 =	sadd.s32 s4, s19  }
0x9c: {  	s7 =	simm.s32 $0x0;
	s20 =	sshll.u32 s5, $0x1;
	s5 =	sadd.s32 s21, s3  }
0x9d: {  	[timem:s7], [sflag:s22] =	dma.local [hbm:s5], s20  }
0x9e: {  	_ =	swait.ge [sflag:s22], s20  }
0x9f: {  	s4 =	ssub.s32 $0x0, s20;
	[sflag:s22] =	ssyncset.done $0x0  }
0xa0: {  	[sflag:s22] =	ssyncadd.s32 s4;
	_ =	sdelay $0x1  }
0xa1: {  	s23 =	simm.s32 $0x1B8B  }
0xa2: {  	_ =	swait.ge [sflag:s23], $0x1  }
0xa3: {  	[sflag:s23] =	ssyncset.done $0x0  }
0xa4: {  	s25 =	simm.s32 $0x1B8E;
	s24 =	sld [smem:$0x3FFE];
	[sflag:s23] =	ssyncadd.s32 $0xFFFFFFFF  }
0xa5: {  	s26 =	simm.s32 $execute0_lowered;
	[smem:$0x3FD2] =	sst s25  }
0xa6: {  	s5 =	sshll.u32 s26, $0x1;
	_ =	strace $0x80000049;
	[dreg:$0x1] =	wrdreg $0xFFFFFFFF  }
0xa7: {  	s28 =	simm.s32 $_size_execute0_lowered;
	s3 =	sadd.s32 s3, s5;
	[dreg:$0x0] =	wrdreg $0x0  }
0xa8: {  	s5 =	sshll.u32 s28, $0x1;
	[dreg:$0x2] =	wrdreg s3  }
0xa9: {  	[dreg:$0x3] =	wrdreg s5  }
0xaa: {  	[dreg:$0x4] =	wrdreg $0xC0  }
0xab: {  	_ =	task [dreg:s7], $0x5FFFF  }
0xac: {  	[dreg:$0x1] =	wrdreg $0xFFFFFFFF  }
0xad: {  	[dreg:$0x0] =	wrdreg $0x60  }
0xae: {  	[dreg:$0x2] =	wrdreg s24  }
0xaf: {  	[dreg:$0x3] =	wrdreg s2  }
0xb0: {  	[dreg:$0x4] =	wrdreg $0x90000  }
0xb1: {  	[dreg:$0x5] =	wrdreg $0x9  }
0xb2: {  	_ =	task.clear_ibuf [dreg:s7], $0x6FFFF;
	_ =	strace $0x90000049  }
0xb3: {  	s29 =	simm.s32 $0x9;
	_ =	strace $0x8000004B  }
0xb4: {  	_ =	swait.ge [sflag:s29], $0x1  }
0xb5: {  	[sflag:s29] =	ssyncadd.s32 $0xFFFFFFFF  }
0xb6: {  	_ =	strace $0x9000004B  }
0xb7: {  	_ =	sfence  }
0xb8: {  	s30 =	sld [smem:$0x0];
	_ =	sdelay $0x2  }
0xb9: {  	s31 =	sshll.u32 s1, $0xD;
	s1 =	sshrl.u32 s1, $0x2  }
0xba: {  	s3 =	sand.u32 $0x4000, s31;
	s1 =	sadd.s32 s1, s30  }
0xbb: {  	s0 =	sor.u32 s3, s0;
	s1 =	sshll.u32 s1, $0x11  }
0xbc: {  	s0 =	sor.u32 s1, s0  }
0xbd: {  	s0 =	sadd.s32 $0x8F2B, s0  }
0xbe: {  	[sflag:s0] =	ssyncadd.remote.s32 $0x1  }
0xbf: {  	_ =	sfence.sel $0xFFFF  }
0xc0: {  	[dreg:$0x0] =	wrdreg $0xFFFFFFFF;
	(pc) =	sbr.abs _section_cstart, $3  }
0xc1: {  	[dreg:$0x1] =	wrdreg $0xFFFFFFFF  }
0xc2: {  	_ =	task.clear_ibuf [dreg:s7], $0x2FFFF;
	_ =	strace $0x9FFFFFFF  }
0xc3: {  	(tm) =	ssettm $0x7FFFFFFF  }
tec
execute0_lowered:
.L_overlay_start_1:
0x0: {  	(tag) =	ssettag $0x1  }
0x1: {  	s0 =	rddreg [dreg:$0x0]  }
0x2: {  	s1 =	rddreg [dreg:$0x1]  }
0x3: {  	s2 =	rddreg [dreg:$0x2]  }
0x4: {  	s11 =	stileid.u32;
	s4 =	srdreg.scid  }
0x5: {  	s3 =	simm.s32 $0x0;
	s15 =	simm.s32 $0x980;
	s17 =	simm.s32 $0x200  }
0x6: {  	s28 =	simm.s32 $0x580;
	s29 =	simm.s32 $0xD00;
	s5 =	smul.u32 $0xA00, s11  }
0x7: {  	s6 =	sand.u32 $0x1, s4;
	s7 =	smul.u32 $0x2800, s11;
	[smem:$0x7FF] =	sst s3  }
0x8: {  	s4 =	sadd.s32 $0xBE00, s0;
	s10 =	smul.u32 $0x50000, s11;
	s12 =	sadd.s32 $0x5BE00, s0  }
0x9: {  	s11 =	sshll.u32 s11, $0x6;
	_ =	strace $0x8000004A;
	[dreg:$0x14] =	wrdreg s12  }
0xa: {  	s8 =	smul.u32 $0x28000, s6;
	s19 =	ssub.s32 $0x2, s6;
	[dreg:$0xa] =	wrdreg s15  }
0xb: {  	s14 =	sor.u32 $0x1C05, s11;
	s11 =	simm.s32 $0x900;
	[dreg:$0xb] =	wrdreg s17  }
0xc: {  	s6 =	smul.u32 $0xA000, s6;
	s9 =	sadd.s32 s5, s0;
	[dreg:$0x9] =	wrdreg s11  }
0xd: {  	s20 =	sshrl.u32 s19, $0x1;
	s10 =	sshrl.u32 s10, $0x2;
	[dreg:$0x15] =	wrdreg s14  }
0xe: {  	s7 =	sadd.s32 s7, s8;
	s21 =	sadd.s32 s10, s2;
	s1 =	sadd.s32 s6, s1  }
0xf: {  	s25 =	sadd.s32 $0x1E00, s9;
	s0 =	sadd.s32 s7, s0;
	s7 =	ssub.s32 s19, s20  }
0x10: {  	s22 =	sadd.s32 $0x4000, s21;
	s1 =	sadd.s32 s5, s1;
	[dreg:$0x5] =	wrdreg s25  }
0x11: {  	s23 =	sadd.s32 $0x8000, s21;
	s5 =	simm.s32 $0x100;
	[dreg:$0x4] =	wrdreg s1  }
0x12: {  	s24 =	sadd.s32 $0xC000, s21;
	s19 =	simm.s32 $0x280;
	[dreg:$0x7] =	wrdreg s5  }
0x13: {  	s13 =	sadd.s32 $0x10000, s21;
	s20 =	simm.s32 $0xA00;
	[dreg:$0xc] =	wrdreg s19  }
0x14: {  	s9 =	sshrl.u32 s21, $0x3;
	s21 =	simm.s32 $0xA80;
	[dreg:$0xd] =	wrdreg s20  }
0x15: {  	s30 =	simm.s32 $0xD80;
	s25 =	simm.s32 $0xB80;
	[dreg:$0xe] =	wrdreg s21  }
0x16: {  	s31 =	simm.s32 $0x600;
	s15 =	simm.s32 $0x800;
	[dreg:$0x12] =	wrdreg s25  }
0x17: {  	s17 =	simm.s32 $0x1000;
	s0 =	sadd.s32 $0x5C600, s0;
	[dreg:$0x18] =	wrdreg s9  }
0x18: {  	s11 =	simm.s32 $0x780;
	s26 =	smax.u32 s7, $0x1;
	[dreg:$0x16] =	wrdreg s0  }
0x19: {  	s10 =	simm.s32 $0x5;
	s1 =	simm.s32 $0x880;
	[dreg:$0x17] =	wrdreg s26  }
0x1a: {  	s6 =	simm.s32 $0x0;
	s8 =	sshrl.u32 s22, $0x3;
	[dreg:$0x6] =	wrdreg s1  }
0x1b: {  	s7 =	simm.s32 $0x180;
	s12 =	sshrl.u32 s23, $0x3;
	[dreg:$0x19] =	wrdreg s8  }
0x1c: {  	s16 =	sshrl.u32 s24, $0x3;
	s18 =	sshrl.u32 s13, $0x3;
	[dreg:$0x8] =	wrdreg s7  }
0x1d: {  	s22 =	simm.s32 $0x300;
	s23 =	simm.s32 $0x380;
	[dreg:$0x1a] =	wrdreg s12  }
0x1e: {  	s19 =	simm.s32 $0x1;
	s24 =	simm.s32 $0xB00;
	[dreg:$0x1b] =	wrdreg s16  }
0x1f: {  	s20 =	simm.s32 $0x2;
	s21 =	simm.s32 $0x3;
	[dreg:$0x1c] =	wrdreg s18  }
0x20: {  	s25 =	simm.s32 $0xC80;
	s13 =	simm.s32 $0xF80;
	[dreg:$0xf] =	wrdreg s22  }
0x21: {  	s16 =	simm.s32 $0x80;
	s18 =	simm.s32 $0x5000;
	[dreg:$0x10] =	wrdreg s23  }
0x22: {  	[dreg:$0x11] =	wrdreg s24;
	s26 =	simm.s32 $0x400;
	s22 =	simm.s32 $0x4  }
0x23: {  	s23 =	simm.s32 $0x480;
	s24 =	simm.s32 $0xC00;
	s0 =	simm.s32 $0x680  }
0x24: {  	s1 =	simm.s32 $0xE00;
	s7 =	simm.s32 $0xE80;
	s8 =	simm.s32 $0x700  }
0x25: {  	s12 =	simm.s32 $0xF00;
	[dreg:$0x13] =	wrdreg s26;
	s26 =	simm.s32 $0x500  }
.LBB2_1:
0x26: {  	[dreg:$0x1d] =	wrdreg s6  }
0x27: {  	s5 =	rddreg [dreg:$0x14]  }
0x28: {  	[spmem:s9], [sflag:s14] =	dma.local [hbm:s5], $0x800  }
0x29: {  	_ =	swait.ge [sflag:s10], $0x800  }
0x2a: {  	[sflag:s10] =	ssyncset.done $0x0  }
0x2b: {  	s9 =	rddreg [dreg:$0x19];
	[sflag:s10] =	ssyncadd.s32 $0xFFFFF800  }
0x2c: {  	[spmem:s9], [sflag:s14] =	dma.local [hbm:s5], $0x800  }
0x2d: {  	_ =	swait.ge [sflag:s10], $0x800  }
0x2e: {  	[sflag:s10] =	ssyncset.done $0x0  }
0x2f: {  	s9 =	rddreg [dreg:$0x1a];
	[sflag:s10] =	ssyncadd.s32 $0xFFFFF800  }
0x30: {  	[spmem:s9], [sflag:s14] =	dma.local [hbm:s5], $0x800  }
0x31: {  	_ =	swait.ge [sflag:s10], $0x800  }
0x32: {  	[sflag:s10] =	ssyncset.done $0x0  }
0x33: {  	s9 =	rddreg [dreg:$0x1b];
	[sflag:s10] =	ssyncadd.s32 $0xFFFFF800  }
0x34: {  	[spmem:s9], [sflag:s14] =	dma.local [hbm:s5], $0x800  }
0x35: {  	_ =	swait.ge [sflag:s10], $0x800  }
0x36: {  	[sflag:s10] =	ssyncset.done $0x0  }
0x37: {  	s9 =	rddreg [dreg:$0x1c];
	[sflag:s10] =	ssyncadd.s32 $0xFFFFF800  }
0x38: {  	[spmem:s9], [sflag:s14] =	dma.local [hbm:s5], $0x800  }
0x39: {  	_ =	swait.ge [sflag:s10], $0x800  }
0x3a: {  	[sflag:s10] =	ssyncset.done $0x0  }
0x3b: {  	[sflag:s10] =	ssyncadd.s32 $0xFFFFF800  }
0x3c: {  	[bflag:$0x0] =	sbarrier.arrive $0xFFFF  }
0x3d: {  	s9 =	rddreg [dreg:$0x4]  }
0x3e: {  	s5 =	sadd.s32 $0x0, s9  }
0x3f: {  	[tilespmem:s3], [sflag:$0x5] =	stream.linear.gather [hbm4b:s5+s3], $0x800, $0x38;
	[tilespmem:$0x1D000] =	vst v63  }
0x40: {  	_ =	swait.ge [sflag:s10], $0x800  }
0x41: {  	s14 =	rddreg [dreg:$0x5];
	[sflag:s10] =	ssyncset.done $0x0  }
0x42: {  	[sflag:s10] =	ssyncadd.s32 $0xFFFFF800;
	s5 =	sadd.s32 $0x0, s14  }
0x43: {  	[tilespmem:s15], [sflag:$0x5] =	stream.linear.gather [hbm4b:s5+s3], $0x800, $0x38;
	[tilespmem:$0x1D000] =	vst v63  }
0x44: {  	_ =	swait.ge [sflag:s10], $0x800  }
0x45: {  	[sflag:s10] =	ssyncset.done $0x0  }
0x46: {  	[sflag:s10] =	ssyncadd.s32 $0xFFFFF800  }
0x47: {  	[tilespmem:s17], [sflag:$0x1] =	stream.indirect.gather [hbm4b:s4+s16], $0x80, s3, s16, $0xb8;
	[tilespmem:$0x1D000] =	vst v63  }
0x48: {  	_ = 	snop  }
0x49: {  	[tilespmem:s18], [sflag:$0x2] =	stream.indirect.gather [hbm4b:s4+s16], $0x80, s16, s16, $0xb8;
	[tilespmem:$0x1D000] =	vst v63  }
0x4a: {  	_ =	swait.ge [sflag:s19], $0x4000  }
0x4b: {  	[sflag:s19] =	ssyncset.done $0x0  }
0x4c: {  	[sflag:s19] =	ssyncadd.s32 $0xFFFFC000  }
0x4d: {  	[spmem:s2] =	stream.indirect.scatter.add.f32 [tilespmem:s17], [sflag:$0x3], $0x80, s15, s16, $0xb8;
	[tilespmem:$0x1D000] =	vst v63  }
0x4e: {  	_ =	swait.ge [sflag:s20], $0x4000  }
0x4f: {  	[sflag:s20] =	ssyncset.done $0x0  }
0x50: {  	s6 =	rddreg [dreg:$0x6];
	[sflag:s20] =	ssyncadd.s32 $0xFFFFC000  }
0x51: {  	[spmem:s2] =	stream.indirect.scatter.add.f32 [tilespmem:s18], [sflag:$0x4], $0x80, s6, s16, $0xb8;
	[tilespmem:$0x1D000] =	vst v63  }
0x52: {  	_ =	swait.ge [sflag:s21], $0x4000  }
0x53: {  	[sflag:s21] =	ssyncset.done $0x0  }
0x54: {  	[sflag:s21] =	ssyncadd.s32 $0xFFFFC000  }
0x55: {  	_ =	swait.ge [sflag:s22], $0x4000  }
0x56: {  	[sflag:s22] =	ssyncset.done $0x0  }
0x57: {  	s9 =	rddreg [dreg:$0x7];
	[sflag:s22] =	ssyncadd.s32 $0xFFFFC000  }
0x58: {  	[tilespmem:s17], [sflag:$0x1] =	stream.indirect.gather [hbm4b:s4+s16], $0x80, s9, s16, $0xb8;
	[tilespmem:$0x1D000] =	vst v63  }
0x59: {  	s14 =	rddreg [dreg:$0x8]  }
0x5a: {  	[tilespmem:s18], [sflag:$0x2] =	stream.indirect.gather [hbm4b:s4+s16], $0x80, s14, s16, $0xb8;
	[tilespmem:$0x1D000] =	vst v63  }
0x5b: {  	_ =	swait.ge [sflag:s19], $0x4000  }
0x5c: {  	[sflag:s19] =	ssyncset.done $0x0  }
0x5d: {  	s9 =	rddreg [dreg:$0x9];
	[sflag:s19] =	ssyncadd.s32 $0xFFFFC000  }
0x5e: {  	[spmem:s2] =	stream.indirect.scatter.add.f32 [tilespmem:s17], [sflag:$0x3], $0x80, s9, s16, $0xb8;
	[tilespmem:$0x1D000] =	vst v63  }
0x5f: {  	_ =	swait.ge [sflag:s20], $0x4000  }
0x60: {  	[sflag:s20] =	ssyncset.done $0x0  }
0x61: {  	s14 =	rddreg [dreg:$0xa];
	[sflag:s20] =	ssyncadd.s32 $0xFFFFC000  }
0x62: {  	[spmem:s2] =	stream.indirect.scatter.add.f32 [tilespmem:s18], [sflag:$0x4], $0x80, s14, s16, $0xb8;
	[tilespmem:$0x1D000] =	vst v63  }
0x63: {  	_ =	swait.ge [sflag:s21], $0x4000  }
0x64: {  	[sflag:s21] =	ssyncset.done $0x0  }
0x65: {  	[sflag:s21] =	ssyncadd.s32 $0xFFFFC000  }
0x66: {  	_ =	swait.ge [sflag:s22], $0x4000  }
0x67: {  	[sflag:s22] =	ssyncset.done $0x0  }
0x68: {  	s6 =	rddreg [dreg:$0xb];
	[sflag:s22] =	ssyncadd.s32 $0xFFFFC000  }
0x69: {  	[tilespmem:s17], [sflag:$0x1] =	stream.indirect.gather [hbm4b:s4+s16], $0x80, s6, s16, $0xb8;
	[tilespmem:$0x1D000] =	vst v63  }
0x6a: {  	s9 =	rddreg [dreg:$0xc]  }
0x6b: {  	[tilespmem:s18], [sflag:$0x2] =	stream.indirect.gather [hbm4b:s4+s16], $0x80, s9, s16, $0xb8;
	[tilespmem:$0x1D000] =	vst v63  }
0x6c: {  	_ =	swait.ge [sflag:s19], $0x4000  }
0x6d: {  	[sflag:s19] =	ssyncset.done $0x0  }
0x6e: {  	s14 =	rddreg [dreg:$0xd];
	[sflag:s19] =	ssyncadd.s32 $0xFFFFC000  }
0x6f: {  	[spmem:s2] =	stream.indirect.scatter.add.f32 [tilespmem:s17], [sflag:$0x3], $0x80, s14, s16, $0xb8;
	[tilespmem:$0x1D000] =	vst v63  }
0x70: {  	_ =	swait.ge [sflag:s20], $0x4000  }
0x71: {  	[sflag:s20] =	ssyncset.done $0x0  }
0x72: {  	s6 =	rddreg [dreg:$0xe];
	[sflag:s20] =	ssyncadd.s32 $0xFFFFC000  }
0x73: {  	[spmem:s2] =	stream.indirect.scatter.add.f32 [tilespmem:s18], [sflag:$0x4], $0x80, s6, s16, $0xb8;
	[tilespmem:$0x1D000] =	vst v63  }
0x74: {  	_ =	swait.ge [sflag:s21], $0x4000  }
0x75: {  	[sflag:s21] =	ssyncset.done $0x0  }
0x76: {  	[sflag:s21] =	ssyncadd.s32 $0xFFFFC000  }
0x77: {  	_ =	swait.ge [sflag:s22], $0x4000  }
0x78: {  	[sflag:s22] =	ssyncset.done $0x0  }
0x79: {  	s9 =	rddreg [dreg:$0xf];
	[sflag:s22] =	ssyncadd.s32 $0xFFFFC000  }
0x7a: {  	[tilespmem:s17], [sflag:$0x1] =	stream.indirect.gather [hbm4b:s4+s16], $0x80, s9, s16, $0xb8;
	[tilespmem:$0x1D000] =	vst v63  }
0x7b: {  	s14 =	rddreg [dreg:$0x10]  }
0x7c: {  	[tilespmem:s18], [sflag:$0x2] =	stream.indirect.gather [hbm4b:s4+s16], $0x80, s14, s16, $0xb8;
	[tilespmem:$0x1D000] =	vst v63  }
0x7d: {  	_ =	swait.ge [sflag:s19], $0x4000  }
0x7e: {  	[sflag:s19] =	ssyncset.done $0x0  }
0x7f: {  	s6 =	rddreg [dreg:$0x11];
	[sflag:s19] =	ssyncadd.s32 $0xFFFFC000  }
0x80: {  	[spmem:s2] =	stream.indirect.scatter.add.f32 [tilespmem:s17], [sflag:$0x3], $0x80, s6, s16, $0xb8;
	[tilespmem:$0x1D000] =	vst v63  }
0x81: {  	_ =	swait.ge [sflag:s20], $0x4000  }
0x82: {  	[sflag:s20] =	ssyncset.done $0x0  }
0x83: {  	s9 =	rddreg [dreg:$0x12];
	[sflag:s20] =	ssyncadd.s32 $0xFFFFC000  }
0x84: {  	[spmem:s2] =	stream.indirect.scatter.add.f32 [tilespmem:s18], [sflag:$0x4], $0x80, s9, s16, $0xb8;
	[tilespmem:$0x1D000] =	vst v63  }
0x85: {  	_ =	swait.ge [sflag:s21], $0x4000  }
0x86: {  	[sflag:s21] =	ssyncset.done $0x0  }
0x87: {  	[sflag:s21] =	ssyncadd.s32 $0xFFFFC000  }
0x88: {  	_ =	swait.ge [sflag:s22], $0x4000  }
0x89: {  	[sflag:s22] =	ssyncset.done $0x0  }
0x8a: {  	s14 =	rddreg [dreg:$0x13];
	[sflag:s22] =	ssyncadd.s32 $0xFFFFC000  }
0x8b: {  	[tilespmem:s17], [sflag:$0x1] =	stream.indirect.gather [hbm4b:s4+s16], $0x80, s14, s16, $0xb8;
	[tilespmem:$0x1D000] =	vst v63  }
0x8c: {  	_ = 	snop  }
0x8d: {  	[tilespmem:s18], [sflag:$0x2] =	stream.indirect.gather [hbm4b:s4+s16], $0x80, s23, s16, $0xb8;
	[tilespmem:$0x1D000] =	vst v63  }
0x8e: {  	_ =	swait.ge [sflag:s19], $0x4000  }
0x8f: {  	[sflag:s19] =	ssyncset.done $0x0  }
0x90: {  	[sflag:s19] =	ssyncadd.s32 $0xFFFFC000  }
0x91: {  	[spmem:s2] =	stream.indirect.scatter.add.f32 [tilespmem:s17], [sflag:$0x3], $0x80, s24, s16, $0xb8;
	[tilespmem:$0x1D000] =	vst v63  }
0x92: {  	_ =	swait.ge [sflag:s20], $0x4000  }
0x93: {  	[sflag:s20] =	ssyncset.done $0x0  }
0x94: {  	[sflag:s20] =	ssyncadd.s32 $0xFFFFC000  }
0x95: {  	[spmem:s2] =	stream.indirect.scatter.add.f32 [tilespmem:s18], [sflag:$0x4], $0x80, s25, s16, $0xb8;
	[tilespmem:$0x1D000] =	vst v63  }
0x96: {  	_ =	swait.ge [sflag:s21], $0x4000  }
0x97: {  	[sflag:s21] =	ssyncset.done $0x0  }
0x98: {  	[sflag:s21] =	ssyncadd.s32 $0xFFFFC000  }
0x99: {  	_ =	swait.ge [sflag:s22], $0x4000  }
0x9a: {  	[sflag:s22] =	ssyncset.done $0x0  }
0x9b: {  	[sflag:s22] =	ssyncadd.s32 $0xFFFFC000  }
0x9c: {  	[tilespmem:s17], [sflag:$0x1] =	stream.indirect.gather [hbm4b:s4+s16], $0x80, s26, s16, $0xb8;
	[tilespmem:$0x1D000] =	vst v63  }
0x9d: {  	_ = 	snop  }
0x9e: {  	[tilespmem:s18], [sflag:$0x2] =	stream.indirect.gather [hbm4b:s4+s16], $0x80, s28, s16, $0xb8;
	[tilespmem:$0x1D000] =	vst v63  }
0x9f: {  	_ =	swait.ge [sflag:s19], $0x4000  }
0xa0: {  	[sflag:s19] =	ssyncset.done $0x0  }
0xa1: {  	[sflag:s19] =	ssyncadd.s32 $0xFFFFC000  }
0xa2: {  	[spmem:s2] =	stream.indirect.scatter.add.f32 [tilespmem:s17], [sflag:$0x3], $0x80, s29, s16, $0xb8;
	[tilespmem:$0x1D000] =	vst v63  }
0xa3: {  	_ =	swait.ge [sflag:s20], $0x4000  }
0xa4: {  	[sflag:s20] =	ssyncset.done $0x0  }
0xa5: {  	[sflag:s20] =	ssyncadd.s32 $0xFFFFC000  }
0xa6: {  	[spmem:s2] =	stream.indirect.scatter.add.f32 [tilespmem:s18], [sflag:$0x4], $0x80, s30, s16, $0xb8;
	[tilespmem:$0x1D000] =	vst v63  }
0xa7: {  	_ =	swait.ge [sflag:s21], $0x4000  }
0xa8: {  	[sflag:s21] =	ssyncset.done $0x0  }
0xa9: {  	[sflag:s21] =	ssyncadd.s32 $0xFFFFC000  }
0xaa: {  	_ =	swait.ge [sflag:s22], $0x4000  }
0xab: {  	[sflag:s22] =	ssyncset.done $0x0  }
0xac: {  	[sflag:s22] =	ssyncadd.s32 $0xFFFFC000  }
0xad: {  	[tilespmem:s17], [sflag:$0x1] =	stream.indirect.gather [hbm4b:s4+s16], $0x80, s31, s16, $0xb8;
	[tilespmem:$0x1D000] =	vst v63  }
0xae: {  	_ = 	snop  }
0xaf: {  	[tilespmem:s18], [sflag:$0x2] =	stream.indirect.gather [hbm4b:s4+s16], $0x80, s0, s16, $0xb8;
	[tilespmem:$0x1D000] =	vst v63  }
0xb0: {  	_ =	swait.ge [sflag:s19], $0x4000  }
0xb1: {  	[sflag:s19] =	ssyncset.done $0x0  }
0xb2: {  	[sflag:s19] =	ssyncadd.s32 $0xFFFFC000  }
0xb3: {  	[spmem:s2] =	stream.indirect.scatter.add.f32 [tilespmem:s17], [sflag:$0x3], $0x80, s1, s16, $0xb8;
	[tilespmem:$0x1D000] =	vst v63  }
0xb4: {  	_ =	swait.ge [sflag:s20], $0x4000  }
0xb5: {  	[sflag:s20] =	ssyncset.done $0x0  }
0xb6: {  	[sflag:s20] =	ssyncadd.s32 $0xFFFFC000  }
0xb7: {  	[spmem:s2] =	stream.indirect.scatter.add.f32 [tilespmem:s18], [sflag:$0x4], $0x80, s7, s16, $0xb8;
	[tilespmem:$0x1D000] =	vst v63  }
0xb8: {  	_ =	swait.ge [sflag:s21], $0x4000  }
0xb9: {  	[sflag:s21] =	ssyncset.done $0x0  }
0xba: {  	[sflag:s21] =	ssyncadd.s32 $0xFFFFC000  }
0xbb: {  	_ =	swait.ge [sflag:s22], $0x4000  }
0xbc: {  	[sflag:s22] =	ssyncset.done $0x0  }
0xbd: {  	[sflag:s22] =	ssyncadd.s32 $0xFFFFC000  }
0xbe: {  	[tilespmem:s17], [sflag:$0x1] =	stream.indirect.gather [hbm4b:s4+s16], $0x80, s8, s16, $0xb8;
	[tilespmem:$0x1D000] =	vst v63  }
0xbf: {  	_ = 	snop  }
0xc0: {  	[tilespmem:s18], [sflag:$0x2] =	stream.indirect.gather [hbm4b:s4+s16], $0x80, s11, s16, $0xb8;
	[tilespmem:$0x1D000] =	vst v63  }
0xc1: {  	_ =	swait.ge [sflag:s19], $0x4000  }
0xc2: {  	[sflag:s19] =	ssyncset.done $0x0  }
0xc3: {  	[sflag:s19] =	ssyncadd.s32 $0xFFFFC000  }
0xc4: {  	[spmem:s2] =	stream.indirect.scatter.add.f32 [tilespmem:s17], [sflag:$0x3], $0x80, s12, s16, $0xb8;
	[tilespmem:$0x1D000] =	vst v63  }
0xc5: {  	_ =	swait.ge [sflag:s20], $0x4000  }
0xc6: {  	[sflag:s20] =	ssyncset.done $0x0  }
0xc7: {  	[sflag:s20] =	ssyncadd.s32 $0xFFFFC000  }
0xc8: {  	[spmem:s2] =	stream.indirect.scatter.add.f32 [tilespmem:s18], [sflag:$0x4], $0x80, s13, s16, $0xb8;
	[tilespmem:$0x1D000] =	vst v63  }
0xc9: {  	_ =	swait.ge [sflag:s21], $0x4000  }
0xca: {  	[sflag:s21] =	ssyncset.done $0x0  }
0xcb: {  	[sflag:s21] =	ssyncadd.s32 $0xFFFFC000  }
0xcc: {  	s5 =	simm.s32 $0x200;
	_ =	swait.ge [sflag:s22], $0x4000  }
0xcd: {  	s9 =	simm.s32 $0x100;
	s6 =	rddreg [dreg:$0x4];
	[sflag:s22] =	ssyncset.done $0x0  }
.LBB2_2:
0xce: {  	[sflag:s22] =	ssyncadd.s32 $0xFFFFC000;
	s6 =	sadd.s32 s9, s6  }
0xcf: {  	[tilespmem:s3], [sflag:$0x5] =	stream.linear.gather [hbm4b:s6+s3], $0x800, $0x38;
	[tilespmem:$0x1D000] =	vst v63  }
0xd0: {  	_ =	swait.ge [sflag:s10], $0x800  }
0xd1: {  	s6 =	rddreg [dreg:$0x5];
	[sflag:s10] =	ssyncset.done $0x0  }
0xd2: {  	[sflag:s10] =	ssyncadd.s32 $0xFFFFF800;
	s6 =	sadd.s32 s9, s6  }
0xd3: {  	[tilespmem:s15], [sflag:$0x5] =	stream.linear.gather [hbm4b:s6+s3], $0x800, $0x38;
	[tilespmem:$0x1D000] =	vst v63  }
0xd4: {  	_ =	swait.ge [sflag:s10], $0x800  }
0xd5: {  	[sflag:s10] =	ssyncset.done $0x0  }
0xd6: {  	[sflag:s10] =	ssyncadd.s32 $0xFFFFF800  }
0xd7: {  	[tilespmem:s17], [sflag:$0x1] =	stream.indirect.gather [hbm4b:s4+s16], $0x80, s3, s16, $0xb8;
	[tilespmem:$0x1D000] =	vst v63  }
0xd8: {  	_ = 	snop  }
0xd9: {  	[tilespmem:s18], [sflag:$0x2] =	stream.indirect.gather [hbm4b:s4+s16], $0x80, s16, s16, $0xb8;
	[tilespmem:$0x1D000] =	vst v63  }
0xda: {  	_ =	swait.ge [sflag:s19], $0x4000  }
0xdb: {  	[sflag:s19] =	ssyncset.done $0x0  }
0xdc: {  	[sflag:s19] =	ssyncadd.s32 $0xFFFFC000  }
0xdd: {  	[spmem:s2] =	stream.indirect.scatter.add.f32 [tilespmem:s17], [sflag:$0x3], $0x80, s15, s16, $0xb8;
	[tilespmem:$0x1D000] =	vst v63  }
0xde: {  	_ =	swait.ge [sflag:s20], $0x4000  }
0xdf: {  	s14 =	smov.u32 s5;
	[sflag:s20] =	ssyncset.done $0x0  }
0xe0: {  	s9 =	smov.u32 s14;
	s14 =	rddreg [dreg:$0x6];
	[sflag:s20] =	ssyncadd.s32 $0xFFFFC000  }
0xe1: {  	[spmem:s2] =	stream.indirect.scatter.add.f32 [tilespmem:s18], [sflag:$0x4], $0x80, s14, s16, $0xb8;
	[tilespmem:$0x1D000] =	vst v63  }
0xe2: {  	_ =	swait.ge [sflag:s21], $0x4000  }
0xe3: {  	[sflag:s21] =	ssyncset.done $0x0  }
0xe4: {  	[sflag:s21] =	ssyncadd.s32 $0xFFFFC000  }
0xe5: {  	_ =	swait.ge [sflag:s22], $0x4000  }
0xe6: {  	[sflag:s22] =	ssyncset.done $0x0  }
0xe7: {  	s6 =	rddreg [dreg:$0x7];
	[sflag:s22] =	ssyncadd.s32 $0xFFFFC000  }
0xe8: {  	[tilespmem:s17], [sflag:$0x1] =	stream.indirect.gather [hbm4b:s4+s16], $0x80, s6, s16, $0xb8;
	[tilespmem:$0x1D000] =	vst v63  }
0xe9: {  	s14 =	rddreg [dreg:$0x8]  }
0xea: {  	[tilespmem:s18], [sflag:$0x2] =	stream.indirect.gather [hbm4b:s4+s16], $0x80, s14, s16, $0xb8;
	[tilespmem:$0x1D000] =	vst v63  }
0xeb: {  	_ =	swait.ge [sflag:s19], $0x4000  }
0xec: {  	[sflag:s19] =	ssyncset.done $0x0  }
0xed: {  	s14 =	rddreg [dreg:$0x9];
	[sflag:s19] =	ssyncadd.s32 $0xFFFFC000  }
0xee: {  	[spmem:s2] =	stream.indirect.scatter.add.f32 [tilespmem:s17], [sflag:$0x3], $0x80, s14, s16, $0xb8;
	[tilespmem:$0x1D000] =	vst v63  }
0xef: {  	_ =	swait.ge [sflag:s20], $0x4000  }
0xf0: {  	[sflag:s20] =	ssyncset.done $0x0  }
0xf1: {  	s14 =	rddreg [dreg:$0xa];
	[sflag:s20] =	ssyncadd.s32 $0xFFFFC000  }
0xf2: {  	[spmem:s2] =	stream.indirect.scatter.add.f32 [tilespmem:s18], [sflag:$0x4], $0x80, s14, s16, $0xb8;
	[tilespmem:$0x1D000] =	vst v63  }
0xf3: {  	_ =	swait.ge [sflag:s21], $0x4000  }
0xf4: {  	[sflag:s21] =	ssyncset.done $0x0  }
0xf5: {  	[sflag:s21] =	ssyncadd.s32 $0xFFFFC000  }
0xf6: {  	_ =	swait.ge [sflag:s22], $0x4000  }
0xf7: {  	[sflag:s22] =	ssyncset.done $0x0  }
0xf8: {  	s6 =	rddreg [dreg:$0xb];
	[sflag:s22] =	ssyncadd.s32 $0xFFFFC000  }
0xf9: {  	[tilespmem:s17], [sflag:$0x1] =	stream.indirect.gather [hbm4b:s4+s16], $0x80, s6, s16, $0xb8;
	[tilespmem:$0x1D000] =	vst v63  }
0xfa: {  	s14 =	rddreg [dreg:$0xc]  }
0xfb: {  	[tilespmem:s18], [sflag:$0x2] =	stream.indirect.gather [hbm4b:s4+s16], $0x80, s14, s16, $0xb8;
	[tilespmem:$0x1D000] =	vst v63  }
0xfc: {  	_ =	swait.ge [sflag:s19], $0x4000  }
0xfd: {  	[sflag:s19] =	ssyncset.done $0x0  }
0xfe: {  	s14 =	rddreg [dreg:$0xd];
	[sflag:s19] =	ssyncadd.s32 $0xFFFFC000  }
0xff: {  	[spmem:s2] =	stream.indirect.scatter.add.f32 [tilespmem:s17], [sflag:$0x3], $0x80, s14, s16, $0xb8;
	[tilespmem:$0x1D000] =	vst v63  }
0x100: {  	_ =	swait.ge [sflag:s20], $0x4000  }
0x101: {  	[sflag:s20] =	ssyncset.done $0x0  }
0x102: {  	s14 =	rddreg [dreg:$0xe];
	[sflag:s20] =	ssyncadd.s32 $0xFFFFC000  }
0x103: {  	[spmem:s2] =	stream.indirect.scatter.add.f32 [tilespmem:s18], [sflag:$0x4], $0x80, s14, s16, $0xb8;
	[tilespmem:$0x1D000] =	vst v63  }
0x104: {  	_ =	swait.ge [sflag:s21], $0x4000  }
0x105: {  	[sflag:s21] =	ssyncset.done $0x0  }
0x106: {  	[sflag:s21] =	ssyncadd.s32 $0xFFFFC000  }
0x107: {  	_ =	swait.ge [sflag:s22], $0x4000  }
0x108: {  	[sflag:s22] =	ssyncset.done $0x0  }
0x109: {  	s6 =	rddreg [dreg:$0xf];
	[sflag:s22] =	ssyncadd.s32 $0xFFFFC000  }
0x10a: {  	[tilespmem:s17], [sflag:$0x1] =	stream.indirect.gather [hbm4b:s4+s16], $0x80, s6, s16, $0xb8;
	[tilespmem:$0x1D000] =	vst v63  }
0x10b: {  	s14 =	rddreg [dreg:$0x10]  }
0x10c: {  	[tilespmem:s18], [sflag:$0x2] =	stream.indirect.gather [hbm4b:s4+s16], $0x80, s14, s16, $0xb8;
	[tilespmem:$0x1D000] =	vst v63  }
0x10d: {  	_ =	swait.ge [sflag:s19], $0x4000  }
0x10e: {  	[sflag:s19] =	ssyncset.done $0x0  }
0x10f: {  	s14 =	rddreg [dreg:$0x11];
	[sflag:s19] =	ssyncadd.s32 $0xFFFFC000  }
0x110: {  	[spmem:s2] =	stream.indirect.scatter.add.f32 [tilespmem:s17], [sflag:$0x3], $0x80, s14, s16, $0xb8;
	[tilespmem:$0x1D000] =	vst v63  }
0x111: {  	_ =	swait.ge [sflag:s20], $0x4000  }
0x112: {  	[sflag:s20] =	ssyncset.done $0x0  }
0x113: {  	s14 =	rddreg [dreg:$0x12];
	[sflag:s20] =	ssyncadd.s32 $0xFFFFC000  }
0x114: {  	[spmem:s2] =	stream.indirect.scatter.add.f32 [tilespmem:s18], [sflag:$0x4], $0x80, s14, s16, $0xb8;
	[tilespmem:$0x1D000] =	vst v63  }
0x115: {  	_ =	swait.ge [sflag:s21], $0x4000  }
0x116: {  	[sflag:s21] =	ssyncset.done $0x0  }
0x117: {  	[sflag:s21] =	ssyncadd.s32 $0xFFFFC000  }
0x118: {  	_ =	swait.ge [sflag:s22], $0x4000  }
0x119: {  	[sflag:s22] =	ssyncset.done $0x0  }
0x11a: {  	s14 =	rddreg [dreg:$0x13];
	[sflag:s22] =	ssyncadd.s32 $0xFFFFC000  }
0x11b: {  	[tilespmem:s17], [sflag:$0x1] =	stream.indirect.gather [hbm4b:s4+s16], $0x80, s14, s16, $0xb8;
	[tilespmem:$0x1D000] =	vst v63  }
0x11c: {  	_ = 	snop  }
0x11d: {  	[tilespmem:s18], [sflag:$0x2] =	stream.indirect.gather [hbm4b:s4+s16], $0x80, s23, s16, $0xb8;
	[tilespmem:$0x1D000] =	vst v63  }
0x11e: {  	_ =	swait.ge [sflag:s19], $0x4000  }
0x11f: {  	[sflag:s19] =	ssyncset.done $0x0  }
0x120: {  	[sflag:s19] =	ssyncadd.s32 $0xFFFFC000  }
0x121: {  	[spmem:s2] =	stream.indirect.scatter.add.f32 [tilespmem:s17], [sflag:$0x3], $0x80, s24, s16, $0xb8;
	[tilespmem:$0x1D000] =	vst v63  }
0x122: {  	_ =	swait.ge [sflag:s20], $0x4000  }
0x123: {  	[sflag:s20] =	ssyncset.done $0x0  }
0x124: {  	[sflag:s20] =	ssyncadd.s32 $0xFFFFC000  }
0x125: {  	[spmem:s2] =	stream.indirect.scatter.add.f32 [tilespmem:s18], [sflag:$0x4], $0x80, s25, s16, $0xb8;
	[tilespmem:$0x1D000] =	vst v63  }
0x126: {  	_ =	swait.ge [sflag:s21], $0x4000  }
0x127: {  	[sflag:s21] =	ssyncset.done $0x0  }
0x128: {  	[sflag:s21] =	ssyncadd.s32 $0xFFFFC000  }
0x129: {  	_ =	swait.ge [sflag:s22], $0x4000  }
0x12a: {  	[sflag:s22] =	ssyncset.done $0x0  }
0x12b: {  	[sflag:s22] =	ssyncadd.s32 $0xFFFFC000  }
0x12c: {  	[tilespmem:s17], [sflag:$0x1] =	stream.indirect.gather [hbm4b:s4+s16], $0x80, s26, s16, $0xb8;
	[tilespmem:$0x1D000] =	vst v63  }
0x12d: {  	_ = 	snop  }
0x12e: {  	[tilespmem:s18], [sflag:$0x2] =	stream.indirect.gather [hbm4b:s4+s16], $0x80, s28, s16, $0xb8;
	[tilespmem:$0x1D000] =	vst v63  }
0x12f: {  	_ =	swait.ge [sflag:s19], $0x4000  }
0x130: {  	[sflag:s19] =	ssyncset.done $0x0  }
0x131: {  	[sflag:s19] =	ssyncadd.s32 $0xFFFFC000  }
0x132: {  	[spmem:s2] =	stream.indirect.scatter.add.f32 [tilespmem:s17], [sflag:$0x3], $0x80, s29, s16, $0xb8;
	[tilespmem:$0x1D000] =	vst v63  }
0x133: {  	_ =	swait.ge [sflag:s20], $0x4000  }
0x134: {  	[sflag:s20] =	ssyncset.done $0x0  }
0x135: {  	[sflag:s20] =	ssyncadd.s32 $0xFFFFC000  }
0x136: {  	[spmem:s2] =	stream.indirect.scatter.add.f32 [tilespmem:s18], [sflag:$0x4], $0x80, s30, s16, $0xb8;
	[tilespmem:$0x1D000] =	vst v63  }
0x137: {  	_ =	swait.ge [sflag:s21], $0x4000  }
0x138: {  	[sflag:s21] =	ssyncset.done $0x0  }
0x139: {  	[sflag:s21] =	ssyncadd.s32 $0xFFFFC000  }
0x13a: {  	_ =	swait.ge [sflag:s22], $0x4000  }
0x13b: {  	[sflag:s22] =	ssyncset.done $0x0  }
0x13c: {  	[sflag:s22] =	ssyncadd.s32 $0xFFFFC000  }
0x13d: {  	[tilespmem:s17], [sflag:$0x1] =	stream.indirect.gather [hbm4b:s4+s16], $0x80, s31, s16, $0xb8;
	[tilespmem:$0x1D000] =	vst v63  }
0x13e: {  	_ = 	snop  }
0x13f: {  	[tilespmem:s18], [sflag:$0x2] =	stream.indirect.gather [hbm4b:s4+s16], $0x80, s0, s16, $0xb8;
	[tilespmem:$0x1D000] =	vst v63  }
0x140: {  	_ =	swait.ge [sflag:s19], $0x4000  }
0x141: {  	[sflag:s19] =	ssyncset.done $0x0  }
0x142: {  	[sflag:s19] =	ssyncadd.s32 $0xFFFFC000  }
0x143: {  	[spmem:s2] =	stream.indirect.scatter.add.f32 [tilespmem:s17], [sflag:$0x3], $0x80, s1, s16, $0xb8;
	[tilespmem:$0x1D000] =	vst v63  }
0x144: {  	_ =	swait.ge [sflag:s20], $0x4000  }
0x145: {  	[sflag:s20] =	ssyncset.done $0x0  }
0x146: {  	[sflag:s20] =	ssyncadd.s32 $0xFFFFC000  }
0x147: {  	[spmem:s2] =	stream.indirect.scatter.add.f32 [tilespmem:s18], [sflag:$0x4], $0x80, s7, s16, $0xb8;
	[tilespmem:$0x1D000] =	vst v63  }
0x148: {  	_ =	swait.ge [sflag:s21], $0x4000  }
0x149: {  	[sflag:s21] =	ssyncset.done $0x0  }
0x14a: {  	[sflag:s21] =	ssyncadd.s32 $0xFFFFC000  }
0x14b: {  	_ =	swait.ge [sflag:s22], $0x4000  }
0x14c: {  	[sflag:s22] =	ssyncset.done $0x0  }
0x14d: {  	[sflag:s22] =	ssyncadd.s32 $0xFFFFC000  }
0x14e: {  	[tilespmem:s17], [sflag:$0x1] =	stream.indirect.gather [hbm4b:s4+s16], $0x80, s8, s16, $0xb8;
	[tilespmem:$0x1D000] =	vst v63  }
0x14f: {  	_ = 	snop  }
0x150: {  	[tilespmem:s18], [sflag:$0x2] =	stream.indirect.gather [hbm4b:s4+s16], $0x80, s11, s16, $0xb8;
	[tilespmem:$0x1D000] =	vst v63  }
0x151: {  	_ =	swait.ge [sflag:s19], $0x4000  }
0x152: {  	[sflag:s19] =	ssyncset.done $0x0  }
0x153: {  	[sflag:s19] =	ssyncadd.s32 $0xFFFFC000  }
0x154: {  	[spmem:s2] =	stream.indirect.scatter.add.f32 [tilespmem:s17], [sflag:$0x3], $0x80, s12, s16, $0xb8;
	[tilespmem:$0x1D000] =	vst v63  }
0x155: {  	_ =	swait.ge [sflag:s20], $0x4000  }
0x156: {  	[sflag:s20] =	ssyncset.done $0x0  }
0x157: {  	p0 =	sne.s32 s5, $0x900;
	[sflag:s20] =	ssyncadd.s32 $0xFFFFC000  }
0x158: {  	[spmem:s2] =	stream.indirect.scatter.add.f32 [tilespmem:s18], [sflag:$0x4], $0x80, s13, s16, $0xb8;
	[tilespmem:$0x1D000] =	vst v63  }
.Ltmp0:
0x159: {  	_ =	swait.ge [sflag:s21], $0x4000;
	(pc) =	sbr.rel @p0 .LBB2_2-.Ltmp0, $4  }
0x15a: {  	[sflag:s21] =	ssyncset.done $0x0  }
0x15b: {  	[sflag:s21] =	ssyncadd.s32 $0xFFFFC000  }
0x15c: {  	_ =	swait.ge [sflag:s22], $0x4000  }
0x15d: {  	s5 =	sadd.s32 $0x100, s5;
	s6 =	rddreg [dreg:$0x4];
	[sflag:s22] =	ssyncset.done $0x0  }
0x15e: {  	[sflag:s22] =	ssyncadd.s32 $0xFFFFC000;
	s5 =	sadd.s32 s9, s6  }
0x15f: {  	[tilespmem:s3], [sflag:$0x5] =	stream.linear.gather [hbm4b:s5+s3], $0x800, $0x38;
	[tilespmem:$0x1D000] =	vst v63  }
0x160: {  	_ =	swait.ge [sflag:s10], $0x800  }
0x161: {  	s14 =	rddreg [dreg:$0x5];
	[sflag:s10] =	ssyncset.done $0x0  }
0x162: {  	[sflag:s10] =	ssyncadd.s32 $0xFFFFF800;
	s5 =	sadd.s32 s9, s14  }
0x163: {  	[tilespmem:s15], [sflag:$0x5] =	stream.linear.gather [hbm4b:s5+s3], $0x800, $0x38;
	[tilespmem:$0x1D000] =	vst v63  }
0x164: {  	_ =	swait.ge [sflag:s10], $0x800  }
0x165: {  	[sflag:s10] =	ssyncset.done $0x0  }
0x166: {  	[sflag:s10] =	ssyncadd.s32 $0xFFFFF800  }
0x167: {  	[tilespmem:s17], [sflag:$0x1] =	stream.indirect.gather [hbm4b:s4+s16], $0x80, s3, s16, $0xb8;
	[tilespmem:$0x1D000] =	vst v63  }
0x168: {  	_ = 	snop  }
0x169: {  	[tilespmem:s18], [sflag:$0x2] =	stream.indirect.gather [hbm4b:s4+s16], $0x80, s16, s16, $0xb8;
	[tilespmem:$0x1D000] =	vst v63  }
0x16a: {  	_ =	swait.ge [sflag:s19], $0x4000  }
0x16b: {  	[sflag:s19] =	ssyncset.done $0x0  }
0x16c: {  	[sflag:s19] =	ssyncadd.s32 $0xFFFFC000  }
0x16d: {  	[spmem:s2] =	stream.indirect.scatter.add.f32 [tilespmem:s17], [sflag:$0x3], $0x80, s15, s16, $0xb8;
	[tilespmem:$0x1D000] =	vst v63  }
0x16e: {  	_ =	swait.ge [sflag:s20], $0x4000  }
0x16f: {  	[sflag:s20] =	ssyncset.done $0x0  }
0x170: {  	s6 =	rddreg [dreg:$0x6];
	[sflag:s20] =	ssyncadd.s32 $0xFFFFC000  }
0x171: {  	[spmem:s2] =	stream.indirect.scatter.add.f32 [tilespmem:s18], [sflag:$0x4], $0x80, s6, s16, $0xb8;
	[tilespmem:$0x1D000] =	vst v63  }
0x172: {  	_ =	swait.ge [sflag:s21], $0x4000  }
0x173: {  	[sflag:s21] =	ssyncset.done $0x0  }
0x174: {  	[sflag:s21] =	ssyncadd.s32 $0xFFFFC000  }
0x175: {  	_ =	swait.ge [sflag:s22], $0x4000  }
0x176: {  	[sflag:s22] =	ssyncset.done $0x0  }
0x177: {  	s9 =	rddreg [dreg:$0x7];
	[sflag:s22] =	ssyncadd.s32 $0xFFFFC000  }
0x178: {  	[tilespmem:s17], [sflag:$0x1] =	stream.indirect.gather [hbm4b:s4+s16], $0x80, s9, s16, $0xb8;
	[tilespmem:$0x1D000] =	vst v63  }
0x179: {  	s14 =	rddreg [dreg:$0x8]  }
0x17a: {  	[tilespmem:s18], [sflag:$0x2] =	stream.indirect.gather [hbm4b:s4+s16], $0x80, s14, s16, $0xb8;
	[tilespmem:$0x1D000] =	vst v63  }
0x17b: {  	_ =	swait.ge [sflag:s19], $0x4000  }
0x17c: {  	[sflag:s19] =	ssyncset.done $0x0  }
0x17d: {  	s9 =	rddreg [dreg:$0x9];
	[sflag:s19] =	ssyncadd.s32 $0xFFFFC000  }
0x17e: {  	[spmem:s2] =	stream.indirect.scatter.add.f32 [tilespmem:s17], [sflag:$0x3], $0x80, s9, s16, $0xb8;
	[tilespmem:$0x1D000] =	vst v63  }
0x17f: {  	_ =	swait.ge [sflag:s20], $0x4000  }
0x180: {  	[sflag:s20] =	ssyncset.done $0x0  }
0x181: {  	s14 =	rddreg [dreg:$0xa];
	[sflag:s20] =	ssyncadd.s32 $0xFFFFC000  }
0x182: {  	[spmem:s2] =	stream.indirect.scatter.add.f32 [tilespmem:s18], [sflag:$0x4], $0x80, s14, s16, $0xb8;
	[tilespmem:$0x1D000] =	vst v63  }
0x183: {  	_ =	swait.ge [sflag:s21], $0x4000  }
0x184: {  	[sflag:s21] =	ssyncset.done $0x0  }
0x185: {  	[sflag:s21] =	ssyncadd.s32 $0xFFFFC000  }
0x186: {  	_ =	swait.ge [sflag:s22], $0x4000  }
0x187: {  	[sflag:s22] =	ssyncset.done $0x0  }
0x188: {  	s6 =	rddreg [dreg:$0xb];
	[sflag:s22] =	ssyncadd.s32 $0xFFFFC000  }
0x189: {  	[tilespmem:s17], [sflag:$0x1] =	stream.indirect.gather [hbm4b:s4+s16], $0x80, s6, s16, $0xb8;
	[tilespmem:$0x1D000] =	vst v63  }
0x18a: {  	s9 =	rddreg [dreg:$0xc]  }
0x18b: {  	[tilespmem:s18], [sflag:$0x2] =	stream.indirect.gather [hbm4b:s4+s16], $0x80, s9, s16, $0xb8;
	[tilespmem:$0x1D000] =	vst v63  }
0x18c: {  	_ =	swait.ge [sflag:s19], $0x4000  }
0x18d: {  	[sflag:s19] =	ssyncset.done $0x0  }
0x18e: {  	s14 =	rddreg [dreg:$0xd];
	[sflag:s19] =	ssyncadd.s32 $0xFFFFC000  }
0x18f: {  	[spmem:s2] =	stream.indirect.scatter.add.f32 [tilespmem:s17], [sflag:$0x3], $0x80, s14, s16, $0xb8;
	[tilespmem:$0x1D000] =	vst v63  }
0x190: {  	_ =	swait.ge [sflag:s20], $0x4000  }
0x191: {  	[sflag:s20] =	ssyncset.done $0x0  }
0x192: {  	s6 =	rddreg [dreg:$0xe];
	[sflag:s20] =	ssyncadd.s32 $0xFFFFC000  }
0x193: {  	[spmem:s2] =	stream.indirect.scatter.add.f32 [tilespmem:s18], [sflag:$0x4], $0x80, s6, s16, $0xb8;
	[tilespmem:$0x1D000] =	vst v63  }
0x194: {  	_ =	swait.ge [sflag:s21], $0x4000  }
0x195: {  	[sflag:s21] =	ssyncset.done $0x0  }
0x196: {  	[sflag:s21] =	ssyncadd.s32 $0xFFFFC000  }
0x197: {  	_ =	swait.ge [sflag:s22], $0x4000  }
0x198: {  	[sflag:s22] =	ssyncset.done $0x0  }
0x199: {  	s9 =	rddreg [dreg:$0xf];
	[sflag:s22] =	ssyncadd.s32 $0xFFFFC000  }
0x19a: {  	[tilespmem:s17], [sflag:$0x1] =	stream.indirect.gather [hbm4b:s4+s16], $0x80, s9, s16, $0xb8;
	[tilespmem:$0x1D000] =	vst v63  }
0x19b: {  	s14 =	rddreg [dreg:$0x10]  }
0x19c: {  	[tilespmem:s18], [sflag:$0x2] =	stream.indirect.gather [hbm4b:s4+s16], $0x80, s14, s16, $0xb8;
	[tilespmem:$0x1D000] =	vst v63  }
0x19d: {  	_ =	swait.ge [sflag:s19], $0x4000  }
0x19e: {  	[sflag:s19] =	ssyncset.done $0x0  }
0x19f: {  	s6 =	rddreg [dreg:$0x11];
	[sflag:s19] =	ssyncadd.s32 $0xFFFFC000  }
0x1a0: {  	[spmem:s2] =	stream.indirect.scatter.add.f32 [tilespmem:s17], [sflag:$0x3], $0x80, s6, s16, $0xb8;
	[tilespmem:$0x1D000] =	vst v63  }
0x1a1: {  	_ =	swait.ge [sflag:s20], $0x4000  }
0x1a2: {  	[sflag:s20] =	ssyncset.done $0x0  }
0x1a3: {  	s9 =	rddreg [dreg:$0x12];
	[sflag:s20] =	ssyncadd.s32 $0xFFFFC000  }
0x1a4: {  	[spmem:s2] =	stream.indirect.scatter.add.f32 [tilespmem:s18], [sflag:$0x4], $0x80, s9, s16, $0xb8;
	[tilespmem:$0x1D000] =	vst v63  }
0x1a5: {  	_ =	swait.ge [sflag:s21], $0x4000  }
0x1a6: {  	[sflag:s21] =	ssyncset.done $0x0  }
0x1a7: {  	[sflag:s21] =	ssyncadd.s32 $0xFFFFC000  }
0x1a8: {  	_ =	swait.ge [sflag:s22], $0x4000  }
0x1a9: {  	[sflag:s22] =	ssyncset.done $0x0  }
0x1aa: {  	s14 =	rddreg [dreg:$0x13];
	[sflag:s22] =	ssyncadd.s32 $0xFFFFC000  }
0x1ab: {  	[tilespmem:s17], [sflag:$0x1] =	stream.indirect.gather [hbm4b:s4+s16], $0x80, s14, s16, $0xb8;
	[tilespmem:$0x1D000] =	vst v63  }
0x1ac: {  	_ = 	snop  }
0x1ad: {  	[tilespmem:s18], [sflag:$0x2] =	stream.indirect.gather [hbm4b:s4+s16], $0x80, s23, s16, $0xb8;
	[tilespmem:$0x1D000] =	vst v63  }
0x1ae: {  	_ =	swait.ge [sflag:s19], $0x4000  }
0x1af: {  	[sflag:s19] =	ssyncset.done $0x0  }
0x1b0: {  	[sflag:s19] =	ssyncadd.s32 $0xFFFFC000  }
0x1b1: {  	[spmem:s2] =	stream.indirect.scatter.add.f32 [tilespmem:s17], [sflag:$0x3], $0x80, s24, s16, $0xb8;
	[tilespmem:$0x1D000] =	vst v63  }
0x1b2: {  	_ =	swait.ge [sflag:s20], $0x4000  }
0x1b3: {  	[sflag:s20] =	ssyncset.done $0x0  }
0x1b4: {  	[sflag:s20] =	ssyncadd.s32 $0xFFFFC000  }
0x1b5: {  	[spmem:s2] =	stream.indirect.scatter.add.f32 [tilespmem:s18], [sflag:$0x4], $0x80, s25, s16, $0xb8;
	[tilespmem:$0x1D000] =	vst v63  }
0x1b6: {  	_ =	swait.ge [sflag:s21], $0x4000  }
0x1b7: {  	[sflag:s21] =	ssyncset.done $0x0  }
0x1b8: {  	[sflag:s21] =	ssyncadd.s32 $0xFFFFC000  }
0x1b9: {  	_ =	swait.ge [sflag:s22], $0x4000  }
0x1ba: {  	[sflag:s22] =	ssyncset.done $0x0  }
0x1bb: {  	[sflag:s22] =	ssyncadd.s32 $0xFFFFC000  }
0x1bc: {  	[tilespmem:s17], [sflag:$0x1] =	stream.indirect.gather [hbm4b:s4+s16], $0x80, s26, s16, $0xb8;
	[tilespmem:$0x1D000] =	vst v63  }
0x1bd: {  	_ = 	snop  }
0x1be: {  	[tilespmem:s18], [sflag:$0x2] =	stream.indirect.gather [hbm4b:s4+s16], $0x80, s28, s16, $0xb8;
	[tilespmem:$0x1D000] =	vst v63  }
0x1bf: {  	_ =	swait.ge [sflag:s19], $0x4000  }
0x1c0: {  	[sflag:s19] =	ssyncset.done $0x0  }
0x1c1: {  	[sflag:s19] =	ssyncadd.s32 $0xFFFFC000  }
0x1c2: {  	[spmem:s2] =	stream.indirect.scatter.add.f32 [tilespmem:s17], [sflag:$0x3], $0x80, s29, s16, $0xb8;
	[tilespmem:$0x1D000] =	vst v63  }
0x1c3: {  	_ =	swait.ge [sflag:s20], $0x4000  }
0x1c4: {  	[sflag:s20] =	ssyncset.done $0x0  }
0x1c5: {  	[sflag:s20] =	ssyncadd.s32 $0xFFFFC000  }
0x1c6: {  	[spmem:s2] =	stream.indirect.scatter.add.f32 [tilespmem:s18], [sflag:$0x4], $0x80, s30, s16, $0xb8;
	[tilespmem:$0x1D000] =	vst v63  }
0x1c7: {  	_ =	swait.ge [sflag:s21], $0x4000  }
0x1c8: {  	[sflag:s21] =	ssyncset.done $0x0  }
0x1c9: {  	[sflag:s21] =	ssyncadd.s32 $0xFFFFC000  }
0x1ca: {  	_ =	swait.ge [sflag:s22], $0x4000  }
0x1cb: {  	[sflag:s22] =	ssyncset.done $0x0  }
0x1cc: {  	[sflag:s22] =	ssyncadd.s32 $0xFFFFC000  }
0x1cd: {  	[tilespmem:s17], [sflag:$0x1] =	stream.indirect.gather [hbm4b:s4+s16], $0x80, s31, s16, $0xb8;
	[tilespmem:$0x1D000] =	vst v63  }
0x1ce: {  	_ = 	snop  }
0x1cf: {  	[tilespmem:s18], [sflag:$0x2] =	stream.indirect.gather [hbm4b:s4+s16], $0x80, s0, s16, $0xb8;
	[tilespmem:$0x1D000] =	vst v63  }
0x1d0: {  	_ =	swait.ge [sflag:s19], $0x4000  }
0x1d1: {  	[sflag:s19] =	ssyncset.done $0x0  }
0x1d2: {  	[sflag:s19] =	ssyncadd.s32 $0xFFFFC000  }
0x1d3: {  	[spmem:s2] =	stream.indirect.scatter.add.f32 [tilespmem:s17], [sflag:$0x3], $0x80, s1, s16, $0xb8;
	[tilespmem:$0x1D000] =	vst v63  }
0x1d4: {  	_ =	swait.ge [sflag:s20], $0x4000  }
0x1d5: {  	[sflag:s20] =	ssyncset.done $0x0  }
0x1d6: {  	[sflag:s20] =	ssyncadd.s32 $0xFFFFC000  }
0x1d7: {  	[spmem:s2] =	stream.indirect.scatter.add.f32 [tilespmem:s18], [sflag:$0x4], $0x80, s7, s16, $0xb8;
	[tilespmem:$0x1D000] =	vst v63  }
0x1d8: {  	_ =	swait.ge [sflag:s21], $0x4000  }
0x1d9: {  	[sflag:s21] =	ssyncset.done $0x0  }
0x1da: {  	[sflag:s21] =	ssyncadd.s32 $0xFFFFC000  }
0x1db: {  	_ =	swait.ge [sflag:s22], $0x4000  }
0x1dc: {  	[sflag:s22] =	ssyncset.done $0x0  }
0x1dd: {  	[sflag:s22] =	ssyncadd.s32 $0xFFFFC000  }
0x1de: {  	[tilespmem:s17], [sflag:$0x1] =	stream.indirect.gather [hbm4b:s4+s16], $0x80, s8, s16, $0xb8;
	[tilespmem:$0x1D000] =	vst v63  }
0x1df: {  	_ = 	snop  }
0x1e0: {  	[tilespmem:s18], [sflag:$0x2] =	stream.indirect.gather [hbm4b:s4+s16], $0x80, s11, s16, $0xb8;
	[tilespmem:$0x1D000] =	vst v63  }
0x1e1: {  	_ =	swait.ge [sflag:s19], $0x4000  }
0x1e2: {  	[sflag:s19] =	ssyncset.done $0x0  }
0x1e3: {  	[sflag:s19] =	ssyncadd.s32 $0xFFFFC000  }
0x1e4: {  	[spmem:s2] =	stream.indirect.scatter.add.f32 [tilespmem:s17], [sflag:$0x3], $0x80, s12, s16, $0xb8;
	[tilespmem:$0x1D000] =	vst v63  }
0x1e5: {  	_ =	swait.ge [sflag:s20], $0x4000  }
0x1e6: {  	[sflag:s20] =	ssyncset.done $0x0  }
0x1e7: {  	[sflag:s20] =	ssyncadd.s32 $0xFFFFC000  }
0x1e8: {  	[spmem:s2] =	stream.indirect.scatter.add.f32 [tilespmem:s18], [sflag:$0x4], $0x80, s13, s16, $0xb8;
	[tilespmem:$0x1D000] =	vst v63  }
0x1e9: {  	_ =	swait.ge [sflag:s21], $0x4000  }
0x1ea: {  	[sflag:s21] =	ssyncset.done $0x0  }
0x1eb: {  	[sflag:s21] =	ssyncadd.s32 $0xFFFFC000  }
0x1ec: {  	_ =	swait.ge [sflag:s22], $0x4000  }
0x1ed: {  	[sflag:s22] =	ssyncset.done $0x0  }
0x1ee: {  	[sflag:s22] =	ssyncadd.s32 $0xFFFFC000  }
0x1ef: {  	[bflag:$0x0] =	sbarrier.arrive $0xFFFF  }
0x1f0: {  	s14 =	rddreg [dreg:$0x15]  }
0x1f1: {  	s6 =	rddreg [dreg:$0x16]  }
0x1f2: {  	s9 =	rddreg [dreg:$0x18]  }
0x1f3: {  	[hbm:s6], [sflag:s14] =	dma.local [spmem:s9], $0x2800  }
0x1f4: {  	_ =	swait.ge [sflag:s10], $0x2800  }
0x1f5: {  	s5 =	rddreg [dreg:$0x1d]  }
0x1f6: {  	s6 =	sadd.s32 $0x1, s5;
	s5 =	rddreg [dreg:$0x17]  }
0x1f7: {  	p0 =	sne.s32 s6, s5  }
.Ltmp1:
0x1f8: {  	_ = 	snop;
	(pc) =	sbr.rel @p0 .LBB2_1-.Ltmp1, $3  }
0x1f9: {  	_ =	sdelay $0x1  }
0x1fa: {  	[sflag:s10] =	ssyncset.done $0x0  }
0x1fb: {  	[sflag:s10] =	ssyncadd.s32 $0xFFFFD800  }
0x1fc: {  	_ =	sfence.sel $0x180000  }
0x1fd: {  	[bflag:$0x0] =	sbarrier.arrive $0xFFFF  }
0x1fe: {  	_ =	strace $0x9000004A  }
0x1ff: {  	s0 =	stileid.u32;
	[bflag:$0x2] =	sbarrier.arrive $0xFFFF  }
0x200: {  	p0 =	sne.s32 s0, $0x0;
	s0 =	rddreg [dreg:$0x3]  }
0x201: {  	s0 =	sadd.s32 @!p0 $0x100000, s0  }
0x202: {  	[sflag:s0] =	ssyncadd.tile.s32 @!p0 $0x1;
	_ =	shalt  }
.Lfunc_end2:
_tile_overlayer_lowered:
.L_overlay_start_2:
0x203: {  	(tag) =	ssettag $0x2  }
0x204: {  	s0 =	rddreg [dreg:$0x0];
	s2 =	stileid.u32  }
0x205: {  	s1 =	rddreg [dreg:$0x1];
	p0 =	sne.s32 s2, $0x0  }
0x206: {  	s3 =	rddreg [dreg:$0x2];
	[bflag:$0x3] =	sbarrier.arrive $0xFFFF;
	s2 =	simm.s32 @!p0 $0x1C05  }
0x207: {  	[timem:s3], [sflag:s2] =	dma.local @!p0 [hbm:s0], s1  }
0x208: {  	s0 =	simm.s32 @!p0 $0x5  }
0x209: {  	_ =	swait.ge @!p0 [sflag:s0], s1  }
0x20a: {  	s1 =	ssub.s32 @!p0 $0x0, s1;
	[sflag:s0] =	ssyncset.done @!p0 $0x0  }
0x20b: {  	[sflag:s0] =	ssyncadd.s32 @!p0 s1  }
0x20c: {  	[bflag:$0x3] =	sbarrier.arrive $0xFFFF  }
0x20d: {  	_ =	shalt  }

</sc_bundles>
